<compile_context>
chip_gen: v7x
topology: tpu7x:2x2x1
jax: 0.10.2.dev20260603
libtpu: 0.0.44.dev20260713+nightly
codegen_flags: <defaults>
</compile_context>

<pallas_src>
import functools

import jax
import jax.numpy as jnp
from jax import lax
from jax.experimental import pallas as pl
from jax.experimental.pallas import tpu as pltpu
from jax.experimental.pallas import tpu_sc as plsc

_SHAPE = (96, 96, 96)
_N = 1024
_NCORES = 2
_NSUB = 16
_NW = _NCORES * _NSUB
_PLANES = _SHAPE[0] // _NW
_PLANE_SZ = _SHAPE[1] * _SHAPE[2]
_SLAB_SZ = _PLANES * _PLANE_SZ
_ROUTE_ROW = 16 + _N + 16
_INV_SCALE = 1.0 / 95.0


def _splat_body(pf_hbm, pi_hbm, pit_hbm, out_hbm, pf_v, pi_v, vol_v, bvec_v,
                idl_v):
    wid = lax.axis_index("s") * _NCORES + lax.axis_index("c")
    x_base = wid * _PLANES

    pltpu.sync_copy(pf_hbm, pf_v)
    pltpu.sync_copy(pi_hbm, pi_v)
    pltpu.sync_copy(pit_hbm.at[pl.ds(wid * _ROUTE_ROW, _ROUTE_ROW)], idl_v)

    zeros = jnp.zeros((16,), jnp.float32)

    def zero_chunk(i, carry):
        vol_v[pl.ds(i * 16, 16)] = zeros
        return carry

    lax.fori_loop(0, _SLAB_SZ // 16, zero_chunk, 0)

    lane = lax.broadcasted_iota(jnp.int32, (16,), 0)
    lane0 = jnp.zeros((16,), jnp.int32)

    nh = idl_v[pl.ds(0, 16)][0]

    def per_hit(i, carry):
        g = idl_v[pl.ds(16 + i, 16)][0]
        irow = pi_v[pl.ds(g * 16, 16)]

        if True:
            lo1 = irow[2]
            hi1 = irow[3]
            y0 = irow[6]
            z0 = irow[7]
            lo0b = irow.at[lane0].get(mode="promise_in_bounds")
            hi0b = irow.at[lane0 + 1].get(mode="promise_in_bounds")
            lo1b = irow.at[lane0 + 2].get(mode="promise_in_bounds")
            hi1b = irow.at[lane0 + 3].get(mode="promise_in_bounds")
            lo2b = irow.at[lane0 + 4].get(mode="promise_in_bounds")
            hi2b = irow.at[lane0 + 5].get(mode="promise_in_bounds")
            frow = pf_v[pl.ds(g * 16, 16)]
            cxb = frow.at[lane0].get(mode="promise_in_bounds")
            cyb = frow.at[lane0 + 1].get(mode="promise_in_bounds")
            czb = frow.at[lane0 + 2].get(mode="promise_in_bounds")
            ninvb = frow.at[lane0 + 3].get(mode="promise_in_bounds")
            intenb = frow.at[lane0 + 4].get(mode="promise_in_bounds")

            xi = lane + x_base
            dx = xi.astype(jnp.float32) * _INV_SCALE - cxb
            amask = (xi >= lo0b) & (xi < hi0b)
            avec = jnp.where(amask, intenb * jnp.exp(ninvb * (dx * dx)), 0.0)

            for h in range(2):
                yi = lane + (y0 + 16 * h)
                dy = yi.astype(jnp.float32) * _INV_SCALE - cyb
                ymask = (yi >= lo1b) & (yi < hi1b)
                bvec_v[pl.ds(16 * h, 16)] = jnp.where(
                    ymask, jnp.exp(ninvb * (dy * dy)), 0.0)

            trip = hi1 - lo1

            cvecs = []
            for h in range(2):
                zi = lane + (z0 + 16 * h)
                dz = zi.astype(jnp.float32) * _INV_SCALE - czb
                zmask = (zi >= lo2b) & (zi < hi2b)
                cvecs.append(
                    jnp.where(zmask, jnp.exp(ninvb * (dz * dz)), 0.0))

            cps = []
            for px in range(_PLANES):
                apx = avec.at[lane0 + px].get(mode="promise_in_bounds")
                cps.append([apx * c for c in cvecs])

            def load_tb(j):
                tvec = bvec_v[pl.ds(j - y0, 16)]
                return tvec.at[lane0].get(mode="promise_in_bounds")

            def store_row(j, tb):
                base = j * _SHAPE[2] + z0
                for px in range(_PLANES):
                    off = px * _PLANE_SZ + base
                    for h in range(2):
                        plsc.addupdate(vol_v.at[pl.ds(off + 16 * h, 16)],
                                       tb * cps[px][h])

            def y_pair(i, tbs):
                j = lo1 + 2 * i
                nxt = (load_tb(j + 2), load_tb(j + 3))
                store_row(j, tbs[0])
                store_row(j + 1, tbs[1])
                return nxt

            lax.fori_loop(0, trip >> 1, y_pair,
                          (load_tb(lo1), load_tb(lo1 + 1)))

            @pl.when((trip & 1) != 0)
            def _tail():
                store_row(hi1 - 1, load_tb(hi1 - 1))

        return carry

    lax.fori_loop(0, nh, per_hit, 0)

    pltpu.sync_copy(vol_v, out_hbm.at[pl.ds(wid * _SLAB_SZ, _SLAB_SZ)])


@functools.partial(jax.jit)
def kernel(centers, sigmas, intensities):
    scale = jnp.float32(_SHAPE[0] - 1)
    c_idx = centers * scale
    cutoff = (3.0 * sigmas * scale)[:, None]
    lo = jnp.maximum(c_idx - cutoff, 0.0).astype(jnp.int32)
    hi = jnp.minimum(jnp.minimum(c_idx + cutoff, scale) + 1.0,
                     jnp.float32(_SHAPE[0])).astype(jnp.int32)
    ninv = -0.5 / (sigmas * sigmas)
    zero = jnp.zeros_like(sigmas)
    pf = jnp.stack(
        [centers[:, 0], centers[:, 1], centers[:, 2], ninv, intensities,
         zero, zero, zero, zero, zero, zero, zero, zero, zero, zero, zero],
        axis=1).reshape(-1)
    y0 = jnp.minimum(lo[:, 1], _SHAPE[1] - 32)
    z0 = jnp.minimum(lo[:, 2], _SHAPE[2] - 32)
    izero = jnp.zeros_like(y0)
    pi = jnp.stack(
        [lo[:, 0], hi[:, 0], lo[:, 1], hi[:, 1], lo[:, 2], hi[:, 2],
         y0, z0, izero, izero, izero, izero, izero, izero, izero, izero],
        axis=1).reshape(-1)

    wids = jnp.arange(_NW, dtype=jnp.int32)
    slab_lo = wids * _PLANES
    hits = ((hi[:, 0][:, None] > slab_lo[None, :])
            & (lo[:, 0][:, None] < slab_lo[None, :] + _PLANES))
    counts = hits.astype(jnp.int32).sum(axis=0)
    ids = jnp.argsort(~hits, axis=0, stable=True).astype(jnp.int32).T
    pit = jnp.concatenate(
        [counts[:, None],
         jnp.zeros((_NW, 15), jnp.int32),
         ids,
         jnp.zeros((_NW, 16), jnp.int32)], axis=1).reshape(-1)

    mesh = plsc.VectorSubcoreMesh(core_axis_name="c", subcore_axis_name="s",
                                  num_cores=_NCORES, num_subcores=_NSUB)
    splat = pl.kernel(
        _splat_body,
        out_type=jax.ShapeDtypeStruct((_NW * _SLAB_SZ,), jnp.float32),
        mesh=mesh,
        scratch_types=[
            pltpu.VMEM((_N * 16,), jnp.float32),
            pltpu.VMEM((_N * 16,), jnp.int32),
            pltpu.VMEM((_SLAB_SZ,), jnp.float32),
            pltpu.VMEM((64,), jnp.float32),
            pltpu.VMEM((_ROUTE_ROW,), jnp.int32),
        ],
    )
    return splat(pf, pi, pit).reshape(_SHAPE)

# --- scband reference (transcript-rebuilt; emitter-appended) ---
"""Pipeline reference for scband-gaussian-model-36043365548589 (READ-ONLY COPY).

The authoritative reference and input builder live on the scoring server;
editing this copy changes nothing except your own understanding.
"""

import jax, jax.numpy as jnp
import numpy as np

SHAPE = (96, 96, 96)
N_MAX = 1024
CHUNK = 32


def setup_inputs(seed: int = 0) -> dict:
    key = jax.random.key(seed)
    k1, k2, k3 = jax.random.split(key, 3)
    centers = jax.random.uniform(k1, (N_MAX, 3), dtype=jnp.float32)
    sigmas = jax.random.uniform(k2, (N_MAX,), dtype=jnp.float32) * 0.04 + 0.01
    intensities = jax.random.uniform(k3, (N_MAX,), dtype=jnp.float32)
    return {"centers": centers, "sigmas": sigmas, "intensities": intensities}


def _render(centers, sigmas, intensities):
    scale = jnp.asarray([SHAPE[0] - 1, SHAPE[1] - 1, SHAPE[2] - 1], dtype=jnp.float32)
    shape_f = jnp.asarray(SHAPE, dtype=jnp.float32)
    g0 = jnp.linspace(0.0, 1.0, SHAPE[0], dtype=jnp.float32)
    g1 = jnp.linspace(0.0, 1.0, SHAPE[1], dtype=jnp.float32)
    g2 = jnp.linspace(0.0, 1.0, SHAPE[2], dtype=jnp.float32)
    i0 = jnp.arange(SHAPE[0])
    i1 = jnp.arange(SHAPE[1])
    i2 = jnp.arange(SHAPE[2])

    def one(center, sigma, intensity):
        # faithful per-Gaussian windowed splat: window realized as an index mask
        active = sigma > 0.0
        s = jnp.where(active, sigma, 1.0)
        c_idx = center * scale
        cutoff = 3.0 * s * scale
        lo = jnp.maximum(c_idx - cutoff, 0.0).astype(jnp.int32)  # trunc == floor for >=0, matches .int()
        hi = (jnp.minimum(jnp.minimum(c_idx + cutoff, scale) + 1.0, shape_f)).astype(jnp.int32)
        m0 = (i0 >= lo[0]) & (i0 < hi[0])
        m1 = (i1 >= lo[1]) & (i1 < hi[1])
        m2 = (i2 >= lo[2]) & (i2 < hi[2])
        d0 = (g0 - center[0]) ** 2
        d1 = (g1 - center[1]) ** 2
        d2 = (g2 - center[2]) ** 2
        dist2 = d0[:, None, None] + d1[None, :, None] + d2[None, None, :]
        contrib = intensity * jnp.exp(-0.5 * dist2 / (s * s))
        mask = m0[:, None, None] & m1[None, :, None] & m2[None, None, :]
        return jnp.where(mask & active, contrib, 0.0)

    n_chunks = N_MAX // CHUNK
    c_r = centers.reshape(n_chunks, CHUNK, 3)
    s_r = sigmas.reshape(n_chunks, CHUNK)
    a_r = intensities.reshape(n_chunks, CHUNK)

    def step(vol, xs):
        c, s, a = xs
        return vol + jnp.sum(jax.vmap(one)(c, s, a), axis=0), None

    vol, _ = jax.lax.scan(jax.checkpoint(step), jnp.zeros(SHAPE, dtype=jnp.float32), (c_r, s_r, a_r))
    return vol


def reference(centers, sigmas, intensities):
    return _render(centers, sigmas, intensities)

if __name__ == "__main__":
    import jax
    _d = setup_inputs()
    print(jax.jit(kernel)(*tuple(_d.values())))

</pallas_src>

<mosaic_0001>
#map = affine_map<(d0, d1) -> (0)>
module attributes {stable_mosaic.version = 14 : i64} {
  func.func @_splat_body(%arg0: i32, %arg1: i32, %arg2: memref<16384xf32, #tpu.memory_space<hbm>>, %arg3: memref<16384xi32, #tpu.memory_space<hbm>>, %arg4: memref<33792xi32, #tpu.memory_space<hbm>>, %arg5: memref<884736xf32, #tpu.memory_space<hbm>>, %arg6: memref<16384xf32, #tpu.memory_space<vmem>>, %arg7: memref<16384xi32, #tpu.memory_space<vmem>>, %arg8: memref<27648xf32, #tpu.memory_space<vmem>>, %arg9: memref<64xf32, #tpu.memory_space<vmem>>, %arg10: memref<1056xi32, #tpu.memory_space<vmem>>) attributes {dimension_semantics = [#tpu.dimension_semantics<core_parallel>, #tpu.dimension_semantics<subcore_parallel>], iteration_bounds = array<i64: 2, 16>, scalar_prefetch = 0 : i64, scratch_operands = 5 : i64, tpu.core_type = #tpu.core_type<sc_vector_subcore>, window_params = [{transform_indices = #map}, {transform_indices = #map}, {transform_indices = #map}, {transform_indices = #map}]} {
    %mul3A = arith.constant 2 : i32
    %mul3A_0 = arith.muli %arg1, %mul3A : i32
    %add3A = arith.addi %mul3A_0, %arg0 : i32
    %mul3A_1 = arith.constant 3 : i32
    %mul3A_2 = arith.muli %add3A, %mul3A_1 : i32
    "tpu.region"() ({
      %run_scoped3A = tpu.sem_alloc : memref<!tpu.dma_semaphore, #tpu.memory_space<semaphore_mem>>
      tpu.enqueue_dma source(%arg2 : memref<16384xf32, #tpu.memory_space<hbm>>) target(%arg6 : memref<16384xf32, #tpu.memory_space<vmem>>) target_semaphore(%run_scoped3A : memref<!tpu.dma_semaphore, #tpu.memory_space<semaphore_mem>>)
      tpu.wait_dma2 semaphore(%run_scoped3A : memref<!tpu.dma_semaphore, #tpu.memory_space<semaphore_mem>>) src(%arg2 : memref<16384xf32, #tpu.memory_space<hbm>>) dst(%arg6 : memref<16384xf32, #tpu.memory_space<vmem>>)
      tpu.yield
    }) : () -> ()
    "tpu.region"() ({
      %run_scoped3A = tpu.sem_alloc : memref<!tpu.dma_semaphore, #tpu.memory_space<semaphore_mem>>
      tpu.enqueue_dma source(%arg3 : memref<16384xi32, #tpu.memory_space<hbm>>) target(%arg7 : memref<16384xi32, #tpu.memory_space<vmem>>) target_semaphore(%run_scoped3A : memref<!tpu.dma_semaphore, #tpu.memory_space<semaphore_mem>>)
      tpu.wait_dma2 semaphore(%run_scoped3A : memref<!tpu.dma_semaphore, #tpu.memory_space<semaphore_mem>>) src(%arg3 : memref<16384xi32, #tpu.memory_space<hbm>>) dst(%arg7 : memref<16384xi32, #tpu.memory_space<vmem>>)
      tpu.yield
    }) : () -> ()
    %mul3A_3 = arith.constant 1056 : i32
    %mul3A_4 = arith.muli %add3A, %mul3A_3 : i32
    "tpu.region"() ({
      %run_scoped3A = tpu.sem_alloc : memref<!tpu.dma_semaphore, #tpu.memory_space<semaphore_mem>>
      %dma_start3A = tpu.memref_slice %arg4[%mul3A_4] : memref<33792xi32, #tpu.memory_space<hbm>> -> memref<1056xi32, #tpu.memory_space<hbm>>
      %dma_start3A_26 = tpu.memref_slice %arg4[%mul3A_4] : memref<33792xi32, #tpu.memory_space<hbm>> -> memref<1056xi32, #tpu.memory_space<hbm>>
      tpu.enqueue_dma source(%dma_start3A_26 : memref<1056xi32, #tpu.memory_space<hbm>>) target(%arg10 : memref<1056xi32, #tpu.memory_space<vmem>>) target_semaphore(%run_scoped3A : memref<!tpu.dma_semaphore, #tpu.memory_space<semaphore_mem>>)
      %dma_wait3A = tpu.memref_slice %arg4[%mul3A_4] : memref<33792xi32, #tpu.memory_space<hbm>> -> memref<1056xi32, #tpu.memory_space<hbm>>
      %dma_wait3A_27 = tpu.memref_slice %arg4[%mul3A_4] : memref<33792xi32, #tpu.memory_space<hbm>> -> memref<1056xi32, #tpu.memory_space<hbm>>
      tpu.wait_dma2 semaphore(%run_scoped3A : memref<!tpu.dma_semaphore, #tpu.memory_space<semaphore_mem>>) src(%dma_wait3A_27 : memref<1056xi32, #tpu.memory_space<hbm>>) dst(%arg10 : memref<1056xi32, #tpu.memory_space<vmem>>)
      tpu.yield
    }) : () -> ()
    %broadcast_in_dim3A = arith.constant 0.000000e+00 : f32
    %broadcast_in_dim3A_5 = vector.broadcast %broadcast_in_dim3A : f32 to vector<16xf32>
    %scan3A = arith.constant 0 : i32
    %scan3A_6 = arith.constant 0 : i32
    %scan3A_7 = arith.constant 1728 : i32
    %scan3A_8 = arith.addi %scan3A_6, %scan3A_7 : i32
    %scan3A_9 = arith.constant 1 : i32
    scf.for %scan3A_26 = %scan3A_6 to %scan3A_8 step %scan3A_9  : i32 {
      %mul3A_27 = arith.constant 16 : i32
      %mul3A_28 = arith.muli %scan3A_26, %mul3A_27 : i32
      %swap3A = arith.index_cast %mul3A_28 : i32 to index
      %swap3A_29 = tpu.vector_load %arg8[%swap3A] {strides = array<i32>} : memref<27648xf32, #tpu.memory_space<vmem>>, vector<16xf32>,
      %swap3A_30 = vector.shape_cast %swap3A_29 : vector<16xf32> to vector<16xf32>
      %swap3A_31 = vector.shape_cast %broadcast_in_dim3A_5 : vector<16xf32> to vector<16xf32>
      tpu.vector_store %arg8[%swap3A], %swap3A_31 {strides = array<i32>} : memref<27648xf32, #tpu.memory_space<vmem>>, vector<16xf32>,
    }
    %scan3A_10 = arith.constant 1728 : i32
    %iota3A = tpu.iota {dimensions = array<i32: 0>} : vector<16xi32>
    %broadcast_in_dim3A_11 = arith.constant 0 : i32
    %broadcast_in_dim3A_12 = vector.broadcast %broadcast_in_dim3A_11 : i32 to vector<16xi32>
    %get3A = arith.constant 0 : index
    %get3A_13 = tpu.vector_load %arg10[%get3A] {strides = array<i32>} : memref<1056xi32, #tpu.memory_space<vmem>>, vector<16xi32>,
    %get3A_14 = vector.shape_cast %get3A_13 : vector<16xi32> to vector<16xi32>
    %slice3A = vector.extract_strided_slice %get3A_14 {offsets = [0], sizes = [1], strides = [1]} : vector<16xi32> to vector<1xi32>
    %squeeze3A = vector.extract %slice3A[0] : i32 from vector<1xi32>
    %while3A = arith.constant 0 : i32
    %while3A_15 = arith.constant 0 : i32
    %while3A_16 = arith.subi %squeeze3A, %while3A_15 : i32
    %while3A_17 = arith.addi %while3A_15, %while3A_16 : i32
    %while3A_18 = arith.constant 1 : i32
    %while3A_19 = arith.divsi %while3A_16, %while3A_18 : i32
    %while3A_20 = arith.muli %while3A_19, %while3A_18 : i32
    %while3A_21 = arith.addi %while3A_15, %while3A_20 : i32
    %while3A_22 = arith.constant 1 : i32
    scf.for %while3A_26 = %while3A_15 to %while3A_21 step %while3A_22  : i32 {
      %add3A_27 = arith.constant 16 : i32
      %add3A_28 = arith.addi %add3A_27, %while3A_26 : i32
      %get3A_29 = arith.index_cast %add3A_28 : i32 to index
      %get3A_30 = tpu.vector_load %arg10[%get3A_29] {strides = array<i32>} : memref<1056xi32, #tpu.memory_space<vmem>>, vector<16xi32>,
      %get3A_31 = vector.shape_cast %get3A_30 : vector<16xi32> to vector<16xi32>
      %slice3A_32 = vector.extract_strided_slice %get3A_31 {offsets = [0], sizes = [1], strides = [1]} : vector<16xi32> to vector<1xi32>
      %squeeze3A_33 = vector.extract %slice3A_32[0] : i32 from vector<1xi32>
      %mul3A_34 = arith.constant 16 : i32
      %mul3A_35 = arith.muli %squeeze3A_33, %mul3A_34 : i32
      %get3A_36 = arith.index_cast %mul3A_35 : i32 to index
      %get3A_37 = tpu.vector_load %arg7[%get3A_36] {strides = array<i32>} : memref<16384xi32, #tpu.memory_space<vmem>>, vector<16xi32>,
      %get3A_38 = vector.shape_cast %get3A_37 : vector<16xi32> to vector<16xi32>
      %slice3A_39 = vector.extract_strided_slice %get3A_38 {offsets = [2], sizes = [1], strides = [1]} : vector<16xi32> to vector<1xi32>
      %squeeze3A_40 = vector.extract %slice3A_39[0] : i32 from vector<1xi32>
      %slice3A_41 = vector.extract_strided_slice %get3A_38 {offsets = [3], sizes = [1], strides = [1]} : vector<16xi32> to vector<1xi32>
      %squeeze3A_42 = vector.extract %slice3A_41[0] : i32 from vector<1xi32>
      %slice3A_43 = vector.extract_strided_slice %get3A_38 {offsets = [6], sizes = [1], strides = [1]} : vector<16xi32> to vector<1xi32>
      %squeeze3A_44 = vector.extract %slice3A_43[0] : i32 from vector<1xi32>
      %slice3A_45 = vector.extract_strided_slice %get3A_38 {offsets = [7], sizes = [1], strides = [1]} : vector<16xi32> to vector<1xi32>
      %squeeze3A_46 = vector.extract %slice3A_45[0] : i32 from vector<1xi32>
      %lt3A = arith.constant 0 : i32
      %lt3A_47 = vector.broadcast %lt3A : i32 to vector<16xi32>
      %lt3A_48 = arith.cmpi slt, %broadcast_in_dim3A_12, %lt3A_47 : vector<16xi32>
      %add3A_49 = arith.constant 16 : i32
      %add3A_50 = vector.broadcast %add3A_49 : i32 to vector<16xi32>
      %add3A_51 = arith.addi %broadcast_in_dim3A_12, %add3A_50 : vector<16xi32>
      %select_n3A = arith.select %lt3A_48, %add3A_51, %broadcast_in_dim3A_12 : vector<16xi1>, vector<16xi32>
      %broadcast_in_dim3A_52 = vector.shape_cast %select_n3A : vector<16xi32> to vector<16x1xi32>
      %gather3A = vector.shape_cast %broadcast_in_dim3A_52 : vector<16x1xi32> to vector<16xi32>
      %gather3A_53 = tpu.dynamic_gather %get3A_38[%gather3A] in [0] : vector<16xi32>, vector<16xi32> -> vector<16xi32>
      %add3A_54 = arith.constant 1 : i32
      %add3A_55 = vector.broadcast %add3A_54 : i32 to vector<16xi32>
      %add3A_56 = arith.addi %broadcast_in_dim3A_12, %add3A_55 : vector<16xi32>
      %lt3A_57 = arith.constant 0 : i32
      %lt3A_58 = vector.broadcast %lt3A_57 : i32 to vector<16xi32>
      %lt3A_59 = arith.cmpi slt, %add3A_56, %lt3A_58 : vector<16xi32>
      %add3A_60 = arith.constant 16 : i32
      %add3A_61 = vector.broadcast %add3A_60 : i32 to vector<16xi32>
      %add3A_62 = arith.addi %add3A_56, %add3A_61 : vector<16xi32>
      %select_n3A_63 = arith.select %lt3A_59, %add3A_62, %add3A_56 : vector<16xi1>, vector<16xi32>
      %broadcast_in_dim3A_64 = vector.shape_cast %select_n3A_63 : vector<16xi32> to vector<16x1xi32>
      %gather3A_65 = vector.shape_cast %broadcast_in_dim3A_64 : vector<16x1xi32> to vector<16xi32>
      %gather3A_66 = tpu.dynamic_gather %get3A_38[%gather3A_65] in [0] : vector<16xi32>, vector<16xi32> -> vector<16xi32>
      %add3A_67 = arith.constant 2 : i32
      %add3A_68 = vector.broadcast %add3A_67 : i32 to vector<16xi32>
      %add3A_69 = arith.addi %broadcast_in_dim3A_12, %add3A_68 : vector<16xi32>
      %lt3A_70 = arith.constant 0 : i32
      %lt3A_71 = vector.broadcast %lt3A_70 : i32 to vector<16xi32>
      %lt3A_72 = arith.cmpi slt, %add3A_69, %lt3A_71 : vector<16xi32>
      %add3A_73 = arith.constant 16 : i32
      %add3A_74 = vector.broadcast %add3A_73 : i32 to vector<16xi32>
      %add3A_75 = arith.addi %add3A_69, %add3A_74 : vector<16xi32>
      %select_n3A_76 = arith.select %lt3A_72, %add3A_75, %add3A_69 : vector<16xi1>, vector<16xi32>
      %broadcast_in_dim3A_77 = vector.shape_cast %select_n3A_76 : vector<16xi32> to vector<16x1xi32>
      %gather3A_78 = vector.shape_cast %broadcast_in_dim3A_77 : vector<16x1xi32> to vector<16xi32>
      %gather3A_79 = tpu.dynamic_gather %get3A_38[%gather3A_78] in [0] : vector<16xi32>, vector<16xi32> -> vector<16xi32>
      %add3A_80 = arith.constant 3 : i32
      %add3A_81 = vector.broadcast %add3A_80 : i32 to vector<16xi32>
      %add3A_82 = arith.addi %broadcast_in_dim3A_12, %add3A_81 : vector<16xi32>
      %lt3A_83 = arith.constant 0 : i32
      %lt3A_84 = vector.broadcast %lt3A_83 : i32 to vector<16xi32>
      %lt3A_85 = arith.cmpi slt, %add3A_82, %lt3A_84 : vector<16xi32>
      %add3A_86 = arith.constant 16 : i32
      %add3A_87 = vector.broadcast %add3A_86 : i32 to vector<16xi32>
      %add3A_88 = arith.addi %add3A_82, %add3A_87 : vector<16xi32>
      %select_n3A_89 = arith.select %lt3A_85, %add3A_88, %add3A_82 : vector<16xi1>, vector<16xi32>
      %broadcast_in_dim3A_90 = vector.shape_cast %select_n3A_89 : vector<16xi32> to vector<16x1xi32>
      %gather3A_91 = vector.shape_cast %broadcast_in_dim3A_90 : vector<16x1xi32> to vector<16xi32>
      %gather3A_92 = tpu.dynamic_gather %get3A_38[%gather3A_91] in [0] : vector<16xi32>, vector<16xi32> -> vector<16xi32>
      %add3A_93 = arith.constant 4 : i32
      %add3A_94 = vector.broadcast %add3A_93 : i32 to vector<16xi32>
      %add3A_95 = arith.addi %broadcast_in_dim3A_12, %add3A_94 : vector<16xi32>
      %lt3A_96 = arith.constant 0 : i32
      %lt3A_97 = vector.broadcast %lt3A_96 : i32 to vector<16xi32>
      %lt3A_98 = arith.cmpi slt, %add3A_95, %lt3A_97 : vector<16xi32>
      %add3A_99 = arith.constant 16 : i32
      %add3A_100 = vector.broadcast %add3A_99 : i32 to vector<16xi32>
      %add3A_101 = arith.addi %add3A_95, %add3A_100 : vector<16xi32>
      %select_n3A_102 = arith.select %lt3A_98, %add3A_101, %add3A_95 : vector<16xi1>, vector<16xi32>
      %broadcast_in_dim3A_103 = vector.shape_cast %select_n3A_102 : vector<16xi32> to vector<16x1xi32>
      %gather3A_104 = vector.shape_cast %broadcast_in_dim3A_103 : vector<16x1xi32> to vector<16xi32>
      %gather3A_105 = tpu.dynamic_gather %get3A_38[%gather3A_104] in [0] : vector<16xi32>, vector<16xi32> -> vector<16xi32>
      %add3A_106 = arith.constant 5 : i32
      %add3A_107 = vector.broadcast %add3A_106 : i32 to vector<16xi32>
      %add3A_108 = arith.addi %broadcast_in_dim3A_12, %add3A_107 : vector<16xi32>
      %lt3A_109 = arith.constant 0 : i32
      %lt3A_110 = vector.broadcast %lt3A_109 : i32 to vector<16xi32>
      %lt3A_111 = arith.cmpi slt, %add3A_108, %lt3A_110 : vector<16xi32>
      %add3A_112 = arith.constant 16 : i32
      %add3A_113 = vector.broadcast %add3A_112 : i32 to vector<16xi32>
      %add3A_114 = arith.addi %add3A_108, %add3A_113 : vector<16xi32>
      %select_n3A_115 = arith.select %lt3A_111, %add3A_114, %add3A_108 : vector<16xi1>, vector<16xi32>
      %broadcast_in_dim3A_116 = vector.shape_cast %select_n3A_115 : vector<16xi32> to vector<16x1xi32>
      %gather3A_117 = vector.shape_cast %broadcast_in_dim3A_116 : vector<16x1xi32> to vector<16xi32>
      %gather3A_118 = tpu.dynamic_gather %get3A_38[%gather3A_117] in [0] : vector<16xi32>, vector<16xi32> -> vector<16xi32>
      %mul3A_119 = arith.constant 16 : i32
      %mul3A_120 = arith.muli %squeeze3A_33, %mul3A_119 : i32
      %get3A_121 = arith.index_cast %mul3A_120 : i32 to index
      %get3A_122 = tpu.vector_load %arg6[%get3A_121] {strides = array<i32>} : memref<16384xf32, #tpu.memory_space<vmem>>, vector<16xf32>,
      %get3A_123 = vector.shape_cast %get3A_122 : vector<16xf32> to vector<16xf32>
      %lt3A_124 = arith.constant 0 : i32
      %lt3A_125 = vector.broadcast %lt3A_124 : i32 to vector<16xi32>
      %lt3A_126 = arith.cmpi slt, %broadcast_in_dim3A_12, %lt3A_125 : vector<16xi32>
      %add3A_127 = arith.constant 16 : i32
      %add3A_128 = vector.broadcast %add3A_127 : i32 to vector<16xi32>
      %add3A_129 = arith.addi %broadcast_in_dim3A_12, %add3A_128 : vector<16xi32>
      %select_n3A_130 = arith.select %lt3A_126, %add3A_129, %broadcast_in_dim3A_12 : vector<16xi1>, vector<16xi32>
      %broadcast_in_dim3A_131 = vector.shape_cast %select_n3A_130 : vector<16xi32> to vector<16x1xi32>
      %gather3A_132 = vector.shape_cast %broadcast_in_dim3A_131 : vector<16x1xi32> to vector<16xi32>
      %gather3A_133 = tpu.dynamic_gather %get3A_123[%gather3A_132] in [0] : vector<16xf32>, vector<16xi32> -> vector<16xf32>
      %add3A_134 = arith.constant 1 : i32
      %add3A_135 = vector.broadcast %add3A_134 : i32 to vector<16xi32>
      %add3A_136 = arith.addi %broadcast_in_dim3A_12, %add3A_135 : vector<16xi32>
      %lt3A_137 = arith.constant 0 : i32
      %lt3A_138 = vector.broadcast %lt3A_137 : i32 to vector<16xi32>
      %lt3A_139 = arith.cmpi slt, %add3A_136, %lt3A_138 : vector<16xi32>
      %add3A_140 = arith.constant 16 : i32
      %add3A_141 = vector.broadcast %add3A_140 : i32 to vector<16xi32>
      %add3A_142 = arith.addi %add3A_136, %add3A_141 : vector<16xi32>
      %select_n3A_143 = arith.select %lt3A_139, %add3A_142, %add3A_136 : vector<16xi1>, vector<16xi32>
      %broadcast_in_dim3A_144 = vector.shape_cast %select_n3A_143 : vector<16xi32> to vector<16x1xi32>
      %gather3A_145 = vector.shape_cast %broadcast_in_dim3A_144 : vector<16x1xi32> to vector<16xi32>
      %gather3A_146 = tpu.dynamic_gather %get3A_123[%gather3A_145] in [0] : vector<16xf32>, vector<16xi32> -> vector<16xf32>
      %add3A_147 = arith.constant 2 : i32
      %add3A_148 = vector.broadcast %add3A_147 : i32 to vector<16xi32>
      %add3A_149 = arith.addi %broadcast_in_dim3A_12, %add3A_148 : vector<16xi32>
      %lt3A_150 = arith.constant 0 : i32
      %lt3A_151 = vector.broadcast %lt3A_150 : i32 to vector<16xi32>
      %lt3A_152 = arith.cmpi slt, %add3A_149, %lt3A_151 : vector<16xi32>
      %add3A_153 = arith.constant 16 : i32
      %add3A_154 = vector.broadcast %add3A_153 : i32 to vector<16xi32>
      %add3A_155 = arith.addi %add3A_149, %add3A_154 : vector<16xi32>
      %select_n3A_156 = arith.select %lt3A_152, %add3A_155, %add3A_149 : vector<16xi1>, vector<16xi32>
      %broadcast_in_dim3A_157 = vector.shape_cast %select_n3A_156 : vector<16xi32> to vector<16x1xi32>
      %gather3A_158 = vector.shape_cast %broadcast_in_dim3A_157 : vector<16x1xi32> to vector<16xi32>
      %gather3A_159 = tpu.dynamic_gather %get3A_123[%gather3A_158] in [0] : vector<16xf32>, vector<16xi32> -> vector<16xf32>
      %add3A_160 = arith.constant 3 : i32
      %add3A_161 = vector.broadcast %add3A_160 : i32 to vector<16xi32>
      %add3A_162 = arith.addi %broadcast_in_dim3A_12, %add3A_161 : vector<16xi32>
      %lt3A_163 = arith.constant 0 : i32
      %lt3A_164 = vector.broadcast %lt3A_163 : i32 to vector<16xi32>
      %lt3A_165 = arith.cmpi slt, %add3A_162, %lt3A_164 : vector<16xi32>
      %add3A_166 = arith.constant 16 : i32
      %add3A_167 = vector.broadcast %add3A_166 : i32 to vector<16xi32>
      %add3A_168 = arith.addi %add3A_162, %add3A_167 : vector<16xi32>
      %select_n3A_169 = arith.select %lt3A_165, %add3A_168, %add3A_162 : vector<16xi1>, vector<16xi32>
      %broadcast_in_dim3A_170 = vector.shape_cast %select_n3A_169 : vector<16xi32> to vector<16x1xi32>
      %gather3A_171 = vector.shape_cast %broadcast_in_dim3A_170 : vector<16x1xi32> to vector<16xi32>
      %gather3A_172 = tpu.dynamic_gather %get3A_123[%gather3A_171] in [0] : vector<16xf32>, vector<16xi32> -> vector<16xf32>
      %add3A_173 = arith.constant 4 : i32
      %add3A_174 = vector.broadcast %add3A_173 : i32 to vector<16xi32>
      %add3A_175 = arith.addi %broadcast_in_dim3A_12, %add3A_174 : vector<16xi32>
      %lt3A_176 = arith.constant 0 : i32
      %lt3A_177 = vector.broadcast %lt3A_176 : i32 to vector<16xi32>
      %lt3A_178 = arith.cmpi slt, %add3A_175, %lt3A_177 : vector<16xi32>
      %add3A_179 = arith.constant 16 : i32
      %add3A_180 = vector.broadcast %add3A_179 : i32 to vector<16xi32>
      %add3A_181 = arith.addi %add3A_175, %add3A_180 : vector<16xi32>
      %select_n3A_182 = arith.select %lt3A_178, %add3A_181, %add3A_175 : vector<16xi1>, vector<16xi32>
      %broadcast_in_dim3A_183 = vector.shape_cast %select_n3A_182 : vector<16xi32> to vector<16x1xi32>
      %gather3A_184 = vector.shape_cast %broadcast_in_dim3A_183 : vector<16x1xi32> to vector<16xi32>
      %gather3A_185 = tpu.dynamic_gather %get3A_123[%gather3A_184] in [0] : vector<16xf32>, vector<16xi32> -> vector<16xf32>
      %add3A_186 = vector.broadcast %mul3A_2 : i32 to vector<16xi32>
      %add3A_187 = arith.addi %iota3A, %add3A_186 : vector<16xi32>
      %convert_element_type3A = arith.sitofp %add3A_187 : vector<16xi32> to vector<16xf32>
      %mul3A_188 = arith.constant 0.0105263162 : f32
      %mul3A_189 = vector.broadcast %mul3A_188 : f32 to vector<16xf32>
      %mul3A_190 = arith.mulf %convert_element_type3A, %mul3A_189 : vector<16xf32>
      %sub3A = arith.subf %mul3A_190, %gather3A_133 : vector<16xf32>
      %ge3A = arith.cmpi sge, %add3A_187, %gather3A_53 : vector<16xi32>
      %lt3A_191 = arith.cmpi slt, %add3A_187, %gather3A_66 : vector<16xi32>
      %and3A = arith.andi %ge3A, %lt3A_191 : vector<16xi1>
      %mul3A_192 = arith.mulf %sub3A, %sub3A : vector<16xf32>
      %mul3A_193 = arith.mulf %gather3A_172, %mul3A_192 : vector<16xf32>
      %exp3A = math.exp %mul3A_193 : vector<16xf32>
      %mul3A_194 = arith.mulf %gather3A_185, %exp3A : vector<16xf32>
      %jit3A = arith.constant 0.000000e+00 : f32
      %broadcast_in_dim3A_195 = vector.broadcast %jit3A : f32 to vector<16xf32>
      %select_n3A_196 = arith.select %and3A, %mul3A_194, %broadcast_in_dim3A_195 : vector<16xi1>, vector<16xf32>
      %add3A_197 = arith.constant 0 : i32
      %add3A_198 = arith.addi %squeeze3A_44, %add3A_197 : i32
      %add3A_199 = vector.broadcast %add3A_198 : i32 to vector<16xi32>
      %add3A_200 = arith.addi %iota3A, %add3A_199 : vector<16xi32>
      %convert_element_type3A_201 = arith.sitofp %add3A_200 : vector<16xi32> to vector<16xf32>
      %mul3A_202 = arith.constant 0.0105263162 : f32
      %mul3A_203 = vector.broadcast %mul3A_202 : f32 to vector<16xf32>
      %mul3A_204 = arith.mulf %convert_element_type3A_201, %mul3A_203 : vector<16xf32>
      %sub3A_205 = arith.subf %mul3A_204, %gather3A_146 : vector<16xf32>
      %ge3A_206 = arith.cmpi sge, %add3A_200, %gather3A_79 : vector<16xi32>
      %lt3A_207 = arith.cmpi slt, %add3A_200, %gather3A_92 : vector<16xi32>
      %and3A_208 = arith.andi %ge3A_206, %lt3A_207 : vector<16xi1>
      %mul3A_209 = arith.mulf %sub3A_205, %sub3A_205 : vector<16xf32>
      %mul3A_210 = arith.mulf %gather3A_172, %mul3A_209 : vector<16xf32>
      %exp3A_211 = math.exp %mul3A_210 : vector<16xf32>
      %jit3A_212 = arith.constant 0.000000e+00 : f32
      %broadcast_in_dim3A_213 = vector.broadcast %jit3A_212 : f32 to vector<16xf32>
      %select_n3A_214 = arith.select %and3A_208, %exp3A_211, %broadcast_in_dim3A_213 : vector<16xi1>, vector<16xf32>
      %swap3A = arith.constant 0 : index
      %swap3A_215 = tpu.vector_load %arg9[%swap3A] {strides = array<i32>} : memref<64xf32, #tpu.memory_space<vmem>>, vector<16xf32>,
      %swap3A_216 = vector.shape_cast %swap3A_215 : vector<16xf32> to vector<16xf32>
      %swap3A_217 = vector.shape_cast %select_n3A_214 : vector<16xf32> to vector<16xf32>
      tpu.vector_store %arg9[%swap3A], %swap3A_217 {strides = array<i32>} : memref<64xf32, #tpu.memory_space<vmem>>, vector<16xf32>,
      %add3A_218 = arith.constant 16 : i32
      %add3A_219 = arith.addi %squeeze3A_44, %add3A_218 : i32
      %add3A_220 = vector.broadcast %add3A_219 : i32 to vector<16xi32>
      %add3A_221 = arith.addi %iota3A, %add3A_220 : vector<16xi32>
      %convert_element_type3A_222 = arith.sitofp %add3A_221 : vector<16xi32> to vector<16xf32>
      %mul3A_223 = arith.constant 0.0105263162 : f32
      %mul3A_224 = vector.broadcast %mul3A_223 : f32 to vector<16xf32>
      %mul3A_225 = arith.mulf %convert_element_type3A_222, %mul3A_224 : vector<16xf32>
      %sub3A_226 = arith.subf %mul3A_225, %gather3A_146 : vector<16xf32>
      %ge3A_227 = arith.cmpi sge, %add3A_221, %gather3A_79 : vector<16xi32>
      %lt3A_228 = arith.cmpi slt, %add3A_221, %gather3A_92 : vector<16xi32>
      %and3A_229 = arith.andi %ge3A_227, %lt3A_228 : vector<16xi1>
      %mul3A_230 = arith.mulf %sub3A_226, %sub3A_226 : vector<16xf32>
      %mul3A_231 = arith.mulf %gather3A_172, %mul3A_230 : vector<16xf32>
      %exp3A_232 = math.exp %mul3A_231 : vector<16xf32>
      %jit3A_233 = arith.constant 0.000000e+00 : f32
      %broadcast_in_dim3A_234 = vector.broadcast %jit3A_233 : f32 to vector<16xf32>
      %select_n3A_235 = arith.select %and3A_229, %exp3A_232, %broadcast_in_dim3A_234 : vector<16xi1>, vector<16xf32>
      %swap3A_236 = arith.constant 16 : index
      %swap3A_237 = tpu.vector_load %arg9[%swap3A_236] {strides = array<i32>} : memref<64xf32, #tpu.memory_space<vmem>>, vector<16xf32>,
      %swap3A_238 = vector.shape_cast %swap3A_237 : vector<16xf32> to vector<16xf32>
      %swap3A_239 = vector.shape_cast %select_n3A_235 : vector<16xf32> to vector<16xf32>
      tpu.vector_store %arg9[%swap3A_236], %swap3A_239 {strides = array<i32>} : memref<64xf32, #tpu.memory_space<vmem>>, vector<16xf32>,
      %sub3A_240 = arith.subi %squeeze3A_42, %squeeze3A_40 : i32
      %add3A_241 = arith.constant 0 : i32
      %add3A_242 = arith.addi %squeeze3A_46, %add3A_241 : i32
      %add3A_243 = vector.broadcast %add3A_242 : i32 to vector<16xi32>
      %add3A_244 = arith.addi %iota3A, %add3A_243 : vector<16xi32>
      %convert_element_type3A_245 = arith.sitofp %add3A_244 : vector<16xi32> to vector<16xf32>
      %mul3A_246 = arith.constant 0.0105263162 : f32
      %mul3A_247 = vector.broadcast %mul3A_246 : f32 to vector<16xf32>
      %mul3A_248 = arith.mulf %convert_element_type3A_245, %mul3A_247 : vector<16xf32>
      %sub3A_249 = arith.subf %mul3A_248, %gather3A_159 : vector<16xf32>
      %ge3A_250 = arith.cmpi sge, %add3A_244, %gather3A_105 : vector<16xi32>
      %lt3A_251 = arith.cmpi slt, %add3A_244, %gather3A_118 : vector<16xi32>
      %and3A_252 = arith.andi %ge3A_250, %lt3A_251 : vector<16xi1>
      %mul3A_253 = arith.mulf %sub3A_249, %sub3A_249 : vector<16xf32>
      %mul3A_254 = arith.mulf %gather3A_172, %mul3A_253 : vector<16xf32>
      %exp3A_255 = math.exp %mul3A_254 : vector<16xf32>
      %jit3A_256 = arith.constant 0.000000e+00 : f32
      %broadcast_in_dim3A_257 = vector.broadcast %jit3A_256 : f32 to vector<16xf32>
      %select_n3A_258 = arith.select %and3A_252, %exp3A_255, %broadcast_in_dim3A_257 : vector<16xi1>, vector<16xf32>
      %add3A_259 = arith.constant 16 : i32
      %add3A_260 = arith.addi %squeeze3A_46, %add3A_259 : i32
      %add3A_261 = vector.broadcast %add3A_260 : i32 to vector<16xi32>
      %add3A_262 = arith.addi %iota3A, %add3A_261 : vector<16xi32>
      %convert_element_type3A_263 = arith.sitofp %add3A_262 : vector<16xi32> to vector<16xf32>
      %mul3A_264 = arith.constant 0.0105263162 : f32
      %mul3A_265 = vector.broadcast %mul3A_264 : f32 to vector<16xf32>
      %mul3A_266 = arith.mulf %convert_element_type3A_263, %mul3A_265 : vector<16xf32>
      %sub3A_267 = arith.subf %mul3A_266, %gather3A_159 : vector<16xf32>
      %ge3A_268 = arith.cmpi sge, %add3A_262, %gather3A_105 : vector<16xi32>
      %lt3A_269 = arith.cmpi slt, %add3A_262, %gather3A_118 : vector<16xi32>
      %and3A_270 = arith.andi %ge3A_268, %lt3A_269 : vector<16xi1>
      %mul3A_271 = arith.mulf %sub3A_267, %sub3A_267 : vector<16xf32>
      %mul3A_272 = arith.mulf %gather3A_172, %mul3A_271 : vector<16xf32>
      %exp3A_273 = math.exp %mul3A_272 : vector<16xf32>
      %jit3A_274 = arith.constant 0.000000e+00 : f32
      %broadcast_in_dim3A_275 = vector.broadcast %jit3A_274 : f32 to vector<16xf32>
      %select_n3A_276 = arith.select %and3A_270, %exp3A_273, %broadcast_in_dim3A_275 : vector<16xi1>, vector<16xf32>
      %add3A_277 = arith.constant 0 : i32
      %add3A_278 = vector.broadcast %add3A_277 : i32 to vector<16xi32>
      %add3A_279 = arith.addi %broadcast_in_dim3A_12, %add3A_278 : vector<16xi32>
      %lt3A_280 = arith.constant 0 : i32
      %lt3A_281 = vector.broadcast %lt3A_280 : i32 to vector<16xi32>
      %lt3A_282 = arith.cmpi slt, %add3A_279, %lt3A_281 : vector<16xi32>
      %add3A_283 = arith.constant 16 : i32
      %add3A_284 = vector.broadcast %add3A_283 : i32 to vector<16xi32>
      %add3A_285 = arith.addi %add3A_279, %add3A_284 : vector<16xi32>
      %select_n3A_286 = arith.select %lt3A_282, %add3A_285, %add3A_279 : vector<16xi1>, vector<16xi32>
      %broadcast_in_dim3A_287 = vector.shape_cast %select_n3A_286 : vector<16xi32> to vector<16x1xi32>
      %gather3A_288 = vector.shape_cast %broadcast_in_dim3A_287 : vector<16x1xi32> to vector<16xi32>
      %gather3A_289 = tpu.dynamic_gather %select_n3A_196[%gather3A_288] in [0] : vector<16xf32>, vector<16xi32> -> vector<16xf32>
      %mul3A_290 = arith.mulf %gather3A_289, %select_n3A_258 : vector<16xf32>
      %mul3A_291 = arith.mulf %gather3A_289, %select_n3A_276 : vector<16xf32>
      %add3A_292 = arith.constant 1 : i32
      %add3A_293 = vector.broadcast %add3A_292 : i32 to vector<16xi32>
      %add3A_294 = arith.addi %broadcast_in_dim3A_12, %add3A_293 : vector<16xi32>
      %lt3A_295 = arith.constant 0 : i32
      %lt3A_296 = vector.broadcast %lt3A_295 : i32 to vector<16xi32>
      %lt3A_297 = arith.cmpi slt, %add3A_294, %lt3A_296 : vector<16xi32>
      %add3A_298 = arith.constant 16 : i32
      %add3A_299 = vector.broadcast %add3A_298 : i32 to vector<16xi32>
      %add3A_300 = arith.addi %add3A_294, %add3A_299 : vector<16xi32>
      %select_n3A_301 = arith.select %lt3A_297, %add3A_300, %add3A_294 : vector<16xi1>, vector<16xi32>
      %broadcast_in_dim3A_302 = vector.shape_cast %select_n3A_301 : vector<16xi32> to vector<16x1xi32>
      %gather3A_303 = vector.shape_cast %broadcast_in_dim3A_302 : vector<16x1xi32> to vector<16xi32>
      %gather3A_304 = tpu.dynamic_gather %select_n3A_196[%gather3A_303] in [0] : vector<16xf32>, vector<16xi32> -> vector<16xf32>
      %mul3A_305 = arith.mulf %gather3A_304, %select_n3A_258 : vector<16xf32>
      %mul3A_306 = arith.mulf %gather3A_304, %select_n3A_276 : vector<16xf32>
      %add3A_307 = arith.constant 2 : i32
      %add3A_308 = vector.broadcast %add3A_307 : i32 to vector<16xi32>
      %add3A_309 = arith.addi %broadcast_in_dim3A_12, %add3A_308 : vector<16xi32>
      %lt3A_310 = arith.constant 0 : i32
      %lt3A_311 = vector.broadcast %lt3A_310 : i32 to vector<16xi32>
      %lt3A_312 = arith.cmpi slt, %add3A_309, %lt3A_311 : vector<16xi32>
      %add3A_313 = arith.constant 16 : i32
      %add3A_314 = vector.broadcast %add3A_313 : i32 to vector<16xi32>
      %add3A_315 = arith.addi %add3A_309, %add3A_314 : vector<16xi32>
      %select_n3A_316 = arith.select %lt3A_312, %add3A_315, %add3A_309 : vector<16xi1>, vector<16xi32>
      %broadcast_in_dim3A_317 = vector.shape_cast %select_n3A_316 : vector<16xi32> to vector<16x1xi32>
      %gather3A_318 = vector.shape_cast %broadcast_in_dim3A_317 : vector<16x1xi32> to vector<16xi32>
      %gather3A_319 = tpu.dynamic_gather %select_n3A_196[%gather3A_318] in [0] : vector<16xf32>, vector<16xi32> -> vector<16xf32>
      %mul3A_320 = arith.mulf %gather3A_319, %select_n3A_258 : vector<16xf32>
      %mul3A_321 = arith.mulf %gather3A_319, %select_n3A_276 : vector<16xf32>
      %shift_right_arithmetic3A = arith.constant 1 : i32
      %shift_right_arithmetic3A_322 = arith.shrsi %sub3A_240, %shift_right_arithmetic3A : i32
      %sub3A_323 = arith.subi %squeeze3A_40, %squeeze3A_44 : i32
      %get3A_324 = arith.index_cast %sub3A_323 : i32 to index
      %get3A_325 = tpu.vector_load %arg9[%get3A_324] {strides = array<i32>} : memref<64xf32, #tpu.memory_space<vmem>>, vector<16xf32>,
      %get3A_326 = vector.shape_cast %get3A_325 : vector<16xf32> to vector<16xf32>
      %lt3A_327 = arith.constant 0 : i32
      %lt3A_328 = vector.broadcast %lt3A_327 : i32 to vector<16xi32>
      %lt3A_329 = arith.cmpi slt, %broadcast_in_dim3A_12, %lt3A_328 : vector<16xi32>
      %add3A_330 = arith.constant 16 : i32
      %add3A_331 = vector.broadcast %add3A_330 : i32 to vector<16xi32>
      %add3A_332 = arith.addi %broadcast_in_dim3A_12, %add3A_331 : vector<16xi32>
      %select_n3A_333 = arith.select %lt3A_329, %add3A_332, %broadcast_in_dim3A_12 : vector<16xi1>, vector<16xi32>
      %broadcast_in_dim3A_334 = vector.shape_cast %select_n3A_333 : vector<16xi32> to vector<16x1xi32>
      %gather3A_335 = vector.shape_cast %broadcast_in_dim3A_334 : vector<16x1xi32> to vector<16xi32>
      %gather3A_336 = tpu.dynamic_gather %get3A_326[%gather3A_335] in [0] : vector<16xf32>, vector<16xi32> -> vector<16xf32>
      %add3A_337 = arith.constant 1 : i32
      %add3A_338 = arith.addi %squeeze3A_40, %add3A_337 : i32
      %sub3A_339 = arith.subi %add3A_338, %squeeze3A_44 : i32
      %get3A_340 = arith.index_cast %sub3A_339 : i32 to index
      %get3A_341 = tpu.vector_load %arg9[%get3A_340] {strides = array<i32>} : memref<64xf32, #tpu.memory_space<vmem>>, vector<16xf32>,
      %get3A_342 = vector.shape_cast %get3A_341 : vector<16xf32> to vector<16xf32>
      %lt3A_343 = arith.constant 0 : i32
      %lt3A_344 = vector.broadcast %lt3A_343 : i32 to vector<16xi32>
      %lt3A_345 = arith.cmpi slt, %broadcast_in_dim3A_12, %lt3A_344 : vector<16xi32>
      %add3A_346 = arith.constant 16 : i32
      %add3A_347 = vector.broadcast %add3A_346 : i32 to vector<16xi32>
      %add3A_348 = arith.addi %broadcast_in_dim3A_12, %add3A_347 : vector<16xi32>
      %select_n3A_349 = arith.select %lt3A_345, %add3A_348, %broadcast_in_dim3A_12 : vector<16xi1>, vector<16xi32>
      %broadcast_in_dim3A_350 = vector.shape_cast %select_n3A_349 : vector<16xi32> to vector<16x1xi32>
      %gather3A_351 = vector.shape_cast %broadcast_in_dim3A_350 : vector<16x1xi32> to vector<16xi32>
      %gather3A_352 = tpu.dynamic_gather %get3A_342[%gather3A_351] in [0] : vector<16xf32>, vector<16xi32> -> vector<16xf32>
      %while3A_353 = arith.constant 0 : i32
      %while3A_354 = arith.subi %shift_right_arithmetic3A_322, %while3A_353 : i32
      %while3A_355 = arith.addi %while3A_353, %while3A_354 : i32
      %while3A_356 = arith.constant 1 : i32
      %while3A_357 = arith.divsi %while3A_354, %while3A_356 : i32
      %while3A_358 = arith.muli %while3A_357, %while3A_356 : i32
      %while3A_359 = arith.addi %while3A_353, %while3A_358 : i32
      %while3A_360 = arith.constant 1 : i32
      %while3A_361:2 = scf.for %while3A_369 = %while3A_353 to %while3A_359 step %while3A_360 iter_args(%while3A_370 = %gather3A_336, %while3A_371 = %gather3A_352) -> (vector<16xf32>, vector<16xf32>)  : i32 {
        %mul3A_372 = arith.constant 2 : i32
        %mul3A_373 = arith.muli %mul3A_372, %while3A_369 : i32
        %add3A_374 = arith.addi %squeeze3A_40, %mul3A_373 : i32
        %add3A_375 = arith.constant 2 : i32
        %add3A_376 = arith.addi %add3A_374, %add3A_375 : i32
        %sub3A_377 = arith.subi %add3A_376, %squeeze3A_44 : i32
        %get3A_378 = arith.index_cast %sub3A_377 : i32 to index
        %get3A_379 = tpu.vector_load %arg9[%get3A_378] {strides = array<i32>} : memref<64xf32, #tpu.memory_space<vmem>>, vector<16xf32>,
        %get3A_380 = vector.shape_cast %get3A_379 : vector<16xf32> to vector<16xf32>
        %lt3A_381 = arith.constant 0 : i32
        %lt3A_382 = vector.broadcast %lt3A_381 : i32 to vector<16xi32>
        %lt3A_383 = arith.cmpi slt, %broadcast_in_dim3A_12, %lt3A_382 : vector<16xi32>
        %add3A_384 = arith.constant 16 : i32
        %add3A_385 = vector.broadcast %add3A_384 : i32 to vector<16xi32>
        %add3A_386 = arith.addi %broadcast_in_dim3A_12, %add3A_385 : vector<16xi32>
        %select_n3A_387 = arith.select %lt3A_383, %add3A_386, %broadcast_in_dim3A_12 : vector<16xi1>, vector<16xi32>
        %broadcast_in_dim3A_388 = vector.shape_cast %select_n3A_387 : vector<16xi32> to vector<16x1xi32>
        %gather3A_389 = vector.shape_cast %broadcast_in_dim3A_388 : vector<16x1xi32> to vector<16xi32>
        %gather3A_390 = tpu.dynamic_gather %get3A_380[%gather3A_389] in [0] : vector<16xf32>, vector<16xi32> -> vector<16xf32>
        %add3A_391 = arith.constant 3 : i32
        %add3A_392 = arith.addi %add3A_374, %add3A_391 : i32
        %sub3A_393 = arith.subi %add3A_392, %squeeze3A_44 : i32
        %get3A_394 = arith.index_cast %sub3A_393 : i32 to index
        %get3A_395 = tpu.vector_load %arg9[%get3A_394] {strides = array<i32>} : memref<64xf32, #tpu.memory_space<vmem>>, vector<16xf32>,
        %get3A_396 = vector.shape_cast %get3A_395 : vector<16xf32> to vector<16xf32>
        %lt3A_397 = arith.constant 0 : i32
        %lt3A_398 = vector.broadcast %lt3A_397 : i32 to vector<16xi32>
        %lt3A_399 = arith.cmpi slt, %broadcast_in_dim3A_12, %lt3A_398 : vector<16xi32>
        %add3A_400 = arith.constant 16 : i32
        %add3A_401 = vector.broadcast %add3A_400 : i32 to vector<16xi32>
        %add3A_402 = arith.addi %broadcast_in_dim3A_12, %add3A_401 : vector<16xi32>
        %select_n3A_403 = arith.select %lt3A_399, %add3A_402, %broadcast_in_dim3A_12 : vector<16xi1>, vector<16xi32>
        %broadcast_in_dim3A_404 = vector.shape_cast %select_n3A_403 : vector<16xi32> to vector<16x1xi32>
        %gather3A_405 = vector.shape_cast %broadcast_in_dim3A_404 : vector<16x1xi32> to vector<16xi32>
        %gather3A_406 = tpu.dynamic_gather %get3A_396[%gather3A_405] in [0] : vector<16xf32>, vector<16xi32> -> vector<16xf32>
        %mul3A_407 = arith.constant 96 : i32
        %mul3A_408 = arith.muli %add3A_374, %mul3A_407 : i32
        %add3A_409 = arith.addi %mul3A_408, %squeeze3A_46 : i32
        %add3A_410 = arith.constant 0 : i32
        %add3A_411 = arith.addi %add3A_410, %add3A_409 : i32
        %add3A_412 = arith.constant 0 : i32
        %add3A_413 = arith.addi %add3A_411, %add3A_412 : i32
        %mul3A_414 = arith.mulf %while3A_370, %mul3A_290 : vector<16xf32>
        %swap3A_415 = arith.index_cast %add3A_413 : i32 to index
        %swap3A_416 = tpu.vector_load %arg8[%swap3A_415] {strides = array<i32>} : memref<27648xf32, #tpu.memory_space<vmem>>, vector<16xf32>,
        %swap3A_417 = vector.shape_cast %swap3A_416 : vector<16xf32> to vector<16xf32>
        %swap3A_418 = vector.shape_cast %mul3A_414 : vector<16xf32> to vector<16xf32>
        tpu.vector_store %arg8[%swap3A_415], %swap3A_418 {add = true, strides = array<i32>} : memref<27648xf32, #tpu.memory_space<vmem>>, vector<16xf32>,
        %add3A_419 = arith.constant 16 : i32
        %add3A_420 = arith.addi %add3A_411, %add3A_419 : i32
        %mul3A_421 = arith.mulf %while3A_370, %mul3A_291 : vector<16xf32>
        %swap3A_422 = arith.index_cast %add3A_420 : i32 to index
        %swap3A_423 = tpu.vector_load %arg8[%swap3A_422] {strides = array<i32>} : memref<27648xf32, #tpu.memory_space<vmem>>, vector<16xf32>,
        %swap3A_424 = vector.shape_cast %swap3A_423 : vector<16xf32> to vector<16xf32>
        %swap3A_425 = vector.shape_cast %mul3A_421 : vector<16xf32> to vector<16xf32>
        tpu.vector_store %arg8[%swap3A_422], %swap3A_425 {add = true, strides = array<i32>} : memref<27648xf32, #tpu.memory_space<vmem>>, vector<16xf32>,
        %add3A_426 = arith.constant 9216 : i32
        %add3A_427 = arith.addi %add3A_426, %add3A_409 : i32
        %add3A_428 = arith.constant 0 : i32
        %add3A_429 = arith.addi %add3A_427, %add3A_428 : i32
        %mul3A_430 = arith.mulf %while3A_370, %mul3A_305 : vector<16xf32>
        %swap3A_431 = arith.index_cast %add3A_429 : i32 to index
        %swap3A_432 = tpu.vector_load %arg8[%swap3A_431] {strides = array<i32>} : memref<27648xf32, #tpu.memory_space<vmem>>, vector<16xf32>,
        %swap3A_433 = vector.shape_cast %swap3A_432 : vector<16xf32> to vector<16xf32>
        %swap3A_434 = vector.shape_cast %mul3A_430 : vector<16xf32> to vector<16xf32>
        tpu.vector_store %arg8[%swap3A_431], %swap3A_434 {add = true, strides = array<i32>} : memref<27648xf32, #tpu.memory_space<vmem>>, vector<16xf32>,
        %add3A_435 = arith.constant 16 : i32
        %add3A_436 = arith.addi %add3A_427, %add3A_435 : i32
        %mul3A_437 = arith.mulf %while3A_370, %mul3A_306 : vector<16xf32>
        %swap3A_438 = arith.index_cast %add3A_436 : i32 to index
        %swap3A_439 = tpu.vector_load %arg8[%swap3A_438] {strides = array<i32>} : memref<27648xf32, #tpu.memory_space<vmem>>, vector<16xf32>,
        %swap3A_440 = vector.shape_cast %swap3A_439 : vector<16xf32> to vector<16xf32>
        %swap3A_441 = vector.shape_cast %mul3A_437 : vector<16xf32> to vector<16xf32>
        tpu.vector_store %arg8[%swap3A_438], %swap3A_441 {add = true, strides = array<i32>} : memref<27648xf32, #tpu.memory_space<vmem>>, vector<16xf32>,
        %add3A_442 = arith.constant 18432 : i32
        %add3A_443 = arith.addi %add3A_442, %add3A_409 : i32
        %add3A_444 = arith.constant 0 : i32
        %add3A_445 = arith.addi %add3A_443, %add3A_444 : i32
        %mul3A_446 = arith.mulf %while3A_370, %mul3A_320 : vector<16xf32>
        %swap3A_447 = arith.index_cast %add3A_445 : i32 to index
        %swap3A_448 = tpu.vector_load %arg8[%swap3A_447] {strides = array<i32>} : memref<27648xf32, #tpu.memory_space<vmem>>, vector<16xf32>,
        %swap3A_449 = vector.shape_cast %swap3A_448 : vector<16xf32> to vector<16xf32>
        %swap3A_450 = vector.shape_cast %mul3A_446 : vector<16xf32> to vector<16xf32>
        tpu.vector_store %arg8[%swap3A_447], %swap3A_450 {add = true, strides = array<i32>} : memref<27648xf32, #tpu.memory_space<vmem>>, vector<16xf32>,
        %add3A_451 = arith.constant 16 : i32
        %add3A_452 = arith.addi %add3A_443, %add3A_451 : i32
        %mul3A_453 = arith.mulf %while3A_370, %mul3A_321 : vector<16xf32>
        %swap3A_454 = arith.index_cast %add3A_452 : i32 to index
        %swap3A_455 = tpu.vector_load %arg8[%swap3A_454] {strides = array<i32>} : memref<27648xf32, #tpu.memory_space<vmem>>, vector<16xf32>,
        %swap3A_456 = vector.shape_cast %swap3A_455 : vector<16xf32> to vector<16xf32>
        %swap3A_457 = vector.shape_cast %mul3A_453 : vector<16xf32> to vector<16xf32>
        tpu.vector_store %arg8[%swap3A_454], %swap3A_457 {add = true, strides = array<i32>} : memref<27648xf32, #tpu.memory_space<vmem>>, vector<16xf32>,
        %add3A_458 = arith.constant 1 : i32
        %add3A_459 = arith.addi %add3A_374, %add3A_458 : i32
        %mul3A_460 = arith.constant 96 : i32
        %mul3A_461 = arith.muli %add3A_459, %mul3A_460 : i32
        %add3A_462 = arith.addi %mul3A_461, %squeeze3A_46 : i32
        %add3A_463 = arith.constant 0 : i32
        %add3A_464 = arith.addi %add3A_463, %add3A_462 : i32
        %add3A_465 = arith.constant 0 : i32
        %add3A_466 = arith.addi %add3A_464, %add3A_465 : i32
        %mul3A_467 = arith.mulf %while3A_371, %mul3A_290 : vector<16xf32>
        %swap3A_468 = arith.index_cast %add3A_466 : i32 to index
        %swap3A_469 = tpu.vector_load %arg8[%swap3A_468] {strides = array<i32>} : memref<27648xf32, #tpu.memory_space<vmem>>, vector<16xf32>,
        %swap3A_470 = vector.shape_cast %swap3A_469 : vector<16xf32> to vector<16xf32>
        %swap3A_471 = vector.shape_cast %mul3A_467 : vector<16xf32> to vector<16xf32>
        tpu.vector_store %arg8[%swap3A_468], %swap3A_471 {add = true, strides = array<i32>} : memref<27648xf32, #tpu.memory_space<vmem>>, vector<16xf32>,
        %add3A_472 = arith.constant 16 : i32
        %add3A_473 = arith.addi %add3A_464, %add3A_472 : i32
        %mul3A_474 = arith.mulf %while3A_371, %mul3A_291 : vector<16xf32>
        %swap3A_475 = arith.index_cast %add3A_473 : i32 to index
        %swap3A_476 = tpu.vector_load %arg8[%swap3A_475] {strides = array<i32>} : memref<27648xf32, #tpu.memory_space<vmem>>, vector<16xf32>,
        %swap3A_477 = vector.shape_cast %swap3A_476 : vector<16xf32> to vector<16xf32>
        %swap3A_478 = vector.shape_cast %mul3A_474 : vector<16xf32> to vector<16xf32>
        tpu.vector_store %arg8[%swap3A_475], %swap3A_478 {add = true, strides = array<i32>} : memref<27648xf32, #tpu.memory_space<vmem>>, vector<16xf32>,
        %add3A_479 = arith.constant 9216 : i32
        %add3A_480 = arith.addi %add3A_479, %add3A_462 : i32
        %add3A_481 = arith.constant 0 : i32
        %add3A_482 = arith.addi %add3A_480, %add3A_481 : i32
        %mul3A_483 = arith.mulf %while3A_371, %mul3A_305 : vector<16xf32>
        %swap3A_484 = arith.index_cast %add3A_482 : i32 to index
        %swap3A_485 = tpu.vector_load %arg8[%swap3A_484] {strides = array<i32>} : memref<27648xf32, #tpu.memory_space<vmem>>, vector<16xf32>,
        %swap3A_486 = vector.shape_cast %swap3A_485 : vector<16xf32> to vector<16xf32>
        %swap3A_487 = vector.shape_cast %mul3A_483 : vector<16xf32> to vector<16xf32>
        tpu.vector_store %arg8[%swap3A_484], %swap3A_487 {add = true, strides = array<i32>} : memref<27648xf32, #tpu.memory_space<vmem>>, vector<16xf32>,
        %add3A_488 = arith.constant 16 : i32
        %add3A_489 = arith.addi %add3A_480, %add3A_488 : i32
        %mul3A_490 = arith.mulf %while3A_371, %mul3A_306 : vector<16xf32>
        %swap3A_491 = arith.index_cast %add3A_489 : i32 to index
        %swap3A_492 = tpu.vector_load %arg8[%swap3A_491] {strides = array<i32>} : memref<27648xf32, #tpu.memory_space<vmem>>, vector<16xf32>,
        %swap3A_493 = vector.shape_cast %swap3A_492 : vector<16xf32> to vector<16xf32>
        %swap3A_494 = vector.shape_cast %mul3A_490 : vector<16xf32> to vector<16xf32>
        tpu.vector_store %arg8[%swap3A_491], %swap3A_494 {add = true, strides = array<i32>} : memref<27648xf32, #tpu.memory_space<vmem>>, vector<16xf32>,
        %add3A_495 = arith.constant 18432 : i32
        %add3A_496 = arith.addi %add3A_495, %add3A_462 : i32
        %add3A_497 = arith.constant 0 : i32
        %add3A_498 = arith.addi %add3A_496, %add3A_497 : i32
        %mul3A_499 = arith.mulf %while3A_371, %mul3A_320 : vector<16xf32>
        %swap3A_500 = arith.index_cast %add3A_498 : i32 to index
        %swap3A_501 = tpu.vector_load %arg8[%swap3A_500] {strides = array<i32>} : memref<27648xf32, #tpu.memory_space<vmem>>, vector<16xf32>,
        %swap3A_502 = vector.shape_cast %swap3A_501 : vector<16xf32> to vector<16xf32>
        %swap3A_503 = vector.shape_cast %mul3A_499 : vector<16xf32> to vector<16xf32>
        tpu.vector_store %arg8[%swap3A_500], %swap3A_503 {add = true, strides = array<i32>} : memref<27648xf32, #tpu.memory_space<vmem>>, vector<16xf32>,
        %add3A_504 = arith.constant 16 : i32
        %add3A_505 = arith.addi %add3A_496, %add3A_504 : i32
        %mul3A_506 = arith.mulf %while3A_371, %mul3A_321 : vector<16xf32>
        %swap3A_507 = arith.index_cast %add3A_505 : i32 to index
        %swap3A_508 = tpu.vector_load %arg8[%swap3A_507] {strides = array<i32>} : memref<27648xf32, #tpu.memory_space<vmem>>, vector<16xf32>,
        %swap3A_509 = vector.shape_cast %swap3A_508 : vector<16xf32> to vector<16xf32>
        %swap3A_510 = vector.shape_cast %mul3A_506 : vector<16xf32> to vector<16xf32>
        tpu.vector_store %arg8[%swap3A_507], %swap3A_510 {add = true, strides = array<i32>} : memref<27648xf32, #tpu.memory_space<vmem>>, vector<16xf32>,
        scf.yield %gather3A_390, %gather3A_406 : vector<16xf32>, vector<16xf32>
      }
      %while3A_362 = arith.constant 1 : i32
      %while3A_363:2 = scf.for %while3A_369 = %while3A_359 to %while3A_355 step %while3A_362 iter_args(%while3A_370 = %while3A_361#0, %while3A_371 = %while3A_361#1) -> (vector<16xf32>, vector<16xf32>)  : i32 {
        %mul3A_372 = arith.constant 2 : i32
        %mul3A_373 = arith.muli %mul3A_372, %while3A_369 : i32
        %add3A_374 = arith.addi %squeeze3A_40, %mul3A_373 : i32
        %add3A_375 = arith.constant 2 : i32
        %add3A_376 = arith.addi %add3A_374, %add3A_375 : i32
        %sub3A_377 = arith.subi %add3A_376, %squeeze3A_44 : i32
        %get3A_378 = arith.index_cast %sub3A_377 : i32 to index
        %get3A_379 = tpu.vector_load %arg9[%get3A_378] {strides = array<i32>} : memref<64xf32, #tpu.memory_space<vmem>>, vector<16xf32>,
        %get3A_380 = vector.shape_cast %get3A_379 : vector<16xf32> to vector<16xf32>
        %lt3A_381 = arith.constant 0 : i32
        %lt3A_382 = vector.broadcast %lt3A_381 : i32 to vector<16xi32>
        %lt3A_383 = arith.cmpi slt, %broadcast_in_dim3A_12, %lt3A_382 : vector<16xi32>
        %add3A_384 = arith.constant 16 : i32
        %add3A_385 = vector.broadcast %add3A_384 : i32 to vector<16xi32>
        %add3A_386 = arith.addi %broadcast_in_dim3A_12, %add3A_385 : vector<16xi32>
        %select_n3A_387 = arith.select %lt3A_383, %add3A_386, %broadcast_in_dim3A_12 : vector<16xi1>, vector<16xi32>
        %broadcast_in_dim3A_388 = vector.shape_cast %select_n3A_387 : vector<16xi32> to vector<16x1xi32>
        %gather3A_389 = vector.shape_cast %broadcast_in_dim3A_388 : vector<16x1xi32> to vector<16xi32>
        %gather3A_390 = tpu.dynamic_gather %get3A_380[%gather3A_389] in [0] : vector<16xf32>, vector<16xi32> -> vector<16xf32>
        %add3A_391 = arith.constant 3 : i32
        %add3A_392 = arith.addi %add3A_374, %add3A_391 : i32
        %sub3A_393 = arith.subi %add3A_392, %squeeze3A_44 : i32
        %get3A_394 = arith.index_cast %sub3A_393 : i32 to index
        %get3A_395 = tpu.vector_load %arg9[%get3A_394] {strides = array<i32>} : memref<64xf32, #tpu.memory_space<vmem>>, vector<16xf32>,
        %get3A_396 = vector.shape_cast %get3A_395 : vector<16xf32> to vector<16xf32>
        %lt3A_397 = arith.constant 0 : i32
        %lt3A_398 = vector.broadcast %lt3A_397 : i32 to vector<16xi32>
        %lt3A_399 = arith.cmpi slt, %broadcast_in_dim3A_12, %lt3A_398 : vector<16xi32>
        %add3A_400 = arith.constant 16 : i32
        %add3A_401 = vector.broadcast %add3A_400 : i32 to vector<16xi32>
        %add3A_402 = arith.addi %broadcast_in_dim3A_12, %add3A_401 : vector<16xi32>
        %select_n3A_403 = arith.select %lt3A_399, %add3A_402, %broadcast_in_dim3A_12 : vector<16xi1>, vector<16xi32>
        %broadcast_in_dim3A_404 = vector.shape_cast %select_n3A_403 : vector<16xi32> to vector<16x1xi32>
        %gather3A_405 = vector.shape_cast %broadcast_in_dim3A_404 : vector<16x1xi32> to vector<16xi32>
        %gather3A_406 = tpu.dynamic_gather %get3A_396[%gather3A_405] in [0] : vector<16xf32>, vector<16xi32> -> vector<16xf32>
        %mul3A_407 = arith.constant 96 : i32
        %mul3A_408 = arith.muli %add3A_374, %mul3A_407 : i32
        %add3A_409 = arith.addi %mul3A_408, %squeeze3A_46 : i32
        %add3A_410 = arith.constant 0 : i32
        %add3A_411 = arith.addi %add3A_410, %add3A_409 : i32
        %add3A_412 = arith.constant 0 : i32
        %add3A_413 = arith.addi %add3A_411, %add3A_412 : i32
        %mul3A_414 = arith.mulf %while3A_370, %mul3A_290 : vector<16xf32>
        %swap3A_415 = arith.index_cast %add3A_413 : i32 to index
        %swap3A_416 = tpu.vector_load %arg8[%swap3A_415] {strides = array<i32>} : memref<27648xf32, #tpu.memory_space<vmem>>, vector<16xf32>,
        %swap3A_417 = vector.shape_cast %swap3A_416 : vector<16xf32> to vector<16xf32>
        %swap3A_418 = vector.shape_cast %mul3A_414 : vector<16xf32> to vector<16xf32>
        tpu.vector_store %arg8[%swap3A_415], %swap3A_418 {add = true, strides = array<i32>} : memref<27648xf32, #tpu.memory_space<vmem>>, vector<16xf32>,
        %add3A_419 = arith.constant 16 : i32
        %add3A_420 = arith.addi %add3A_411, %add3A_419 : i32
        %mul3A_421 = arith.mulf %while3A_370, %mul3A_291 : vector<16xf32>
        %swap3A_422 = arith.index_cast %add3A_420 : i32 to index
        %swap3A_423 = tpu.vector_load %arg8[%swap3A_422] {strides = array<i32>} : memref<27648xf32, #tpu.memory_space<vmem>>, vector<16xf32>,
        %swap3A_424 = vector.shape_cast %swap3A_423 : vector<16xf32> to vector<16xf32>
        %swap3A_425 = vector.shape_cast %mul3A_421 : vector<16xf32> to vector<16xf32>
        tpu.vector_store %arg8[%swap3A_422], %swap3A_425 {add = true, strides = array<i32>} : memref<27648xf32, #tpu.memory_space<vmem>>, vector<16xf32>,
        %add3A_426 = arith.constant 9216 : i32
        %add3A_427 = arith.addi %add3A_426, %add3A_409 : i32
        %add3A_428 = arith.constant 0 : i32
        %add3A_429 = arith.addi %add3A_427, %add3A_428 : i32
        %mul3A_430 = arith.mulf %while3A_370, %mul3A_305 : vector<16xf32>
        %swap3A_431 = arith.index_cast %add3A_429 : i32 to index
        %swap3A_432 = tpu.vector_load %arg8[%swap3A_431] {strides = array<i32>} : memref<27648xf32, #tpu.memory_space<vmem>>, vector<16xf32>,
        %swap3A_433 = vector.shape_cast %swap3A_432 : vector<16xf32> to vector<16xf32>
        %swap3A_434 = vector.shape_cast %mul3A_430 : vector<16xf32> to vector<16xf32>
        tpu.vector_store %arg8[%swap3A_431], %swap3A_434 {add = true, strides = array<i32>} : memref<27648xf32, #tpu.memory_space<vmem>>, vector<16xf32>,
        %add3A_435 = arith.constant 16 : i32
        %add3A_436 = arith.addi %add3A_427, %add3A_435 : i32
        %mul3A_437 = arith.mulf %while3A_370, %mul3A_306 : vector<16xf32>
        %swap3A_438 = arith.index_cast %add3A_436 : i32 to index
        %swap3A_439 = tpu.vector_load %arg8[%swap3A_438] {strides = array<i32>} : memref<27648xf32, #tpu.memory_space<vmem>>, vector<16xf32>,
        %swap3A_440 = vector.shape_cast %swap3A_439 : vector<16xf32> to vector<16xf32>
        %swap3A_441 = vector.shape_cast %mul3A_437 : vector<16xf32> to vector<16xf32>
        tpu.vector_store %arg8[%swap3A_438], %swap3A_441 {add = true, strides = array<i32>} : memref<27648xf32, #tpu.memory_space<vmem>>, vector<16xf32>,
        %add3A_442 = arith.constant 18432 : i32
        %add3A_443 = arith.addi %add3A_442, %add3A_409 : i32
        %add3A_444 = arith.constant 0 : i32
        %add3A_445 = arith.addi %add3A_443, %add3A_444 : i32
        %mul3A_446 = arith.mulf %while3A_370, %mul3A_320 : vector<16xf32>
        %swap3A_447 = arith.index_cast %add3A_445 : i32 to index
        %swap3A_448 = tpu.vector_load %arg8[%swap3A_447] {strides = array<i32>} : memref<27648xf32, #tpu.memory_space<vmem>>, vector<16xf32>,
        %swap3A_449 = vector.shape_cast %swap3A_448 : vector<16xf32> to vector<16xf32>
        %swap3A_450 = vector.shape_cast %mul3A_446 : vector<16xf32> to vector<16xf32>
        tpu.vector_store %arg8[%swap3A_447], %swap3A_450 {add = true, strides = array<i32>} : memref<27648xf32, #tpu.memory_space<vmem>>, vector<16xf32>,
        %add3A_451 = arith.constant 16 : i32
        %add3A_452 = arith.addi %add3A_443, %add3A_451 : i32
        %mul3A_453 = arith.mulf %while3A_370, %mul3A_321 : vector<16xf32>
        %swap3A_454 = arith.index_cast %add3A_452 : i32 to index
        %swap3A_455 = tpu.vector_load %arg8[%swap3A_454] {strides = array<i32>} : memref<27648xf32, #tpu.memory_space<vmem>>, vector<16xf32>,
        %swap3A_456 = vector.shape_cast %swap3A_455 : vector<16xf32> to vector<16xf32>
        %swap3A_457 = vector.shape_cast %mul3A_453 : vector<16xf32> to vector<16xf32>
        tpu.vector_store %arg8[%swap3A_454], %swap3A_457 {add = true, strides = array<i32>} : memref<27648xf32, #tpu.memory_space<vmem>>, vector<16xf32>,
        %add3A_458 = arith.constant 1 : i32
        %add3A_459 = arith.addi %add3A_374, %add3A_458 : i32
        %mul3A_460 = arith.constant 96 : i32
        %mul3A_461 = arith.muli %add3A_459, %mul3A_460 : i32
        %add3A_462 = arith.addi %mul3A_461, %squeeze3A_46 : i32
        %add3A_463 = arith.constant 0 : i32
        %add3A_464 = arith.addi %add3A_463, %add3A_462 : i32
        %add3A_465 = arith.constant 0 : i32
        %add3A_466 = arith.addi %add3A_464, %add3A_465 : i32
        %mul3A_467 = arith.mulf %while3A_371, %mul3A_290 : vector<16xf32>
        %swap3A_468 = arith.index_cast %add3A_466 : i32 to index
        %swap3A_469 = tpu.vector_load %arg8[%swap3A_468] {strides = array<i32>} : memref<27648xf32, #tpu.memory_space<vmem>>, vector<16xf32>,
        %swap3A_470 = vector.shape_cast %swap3A_469 : vector<16xf32> to vector<16xf32>
        %swap3A_471 = vector.shape_cast %mul3A_467 : vector<16xf32> to vector<16xf32>
        tpu.vector_store %arg8[%swap3A_468], %swap3A_471 {add = true, strides = array<i32>} : memref<27648xf32, #tpu.memory_space<vmem>>, vector<16xf32>,
        %add3A_472 = arith.constant 16 : i32
        %add3A_473 = arith.addi %add3A_464, %add3A_472 : i32
        %mul3A_474 = arith.mulf %while3A_371, %mul3A_291 : vector<16xf32>
        %swap3A_475 = arith.index_cast %add3A_473 : i32 to index
        %swap3A_476 = tpu.vector_load %arg8[%swap3A_475] {strides = array<i32>} : memref<27648xf32, #tpu.memory_space<vmem>>, vector<16xf32>,
        %swap3A_477 = vector.shape_cast %swap3A_476 : vector<16xf32> to vector<16xf32>
        %swap3A_478 = vector.shape_cast %mul3A_474 : vector<16xf32> to vector<16xf32>
        tpu.vector_store %arg8[%swap3A_475], %swap3A_478 {add = true, strides = array<i32>} : memref<27648xf32, #tpu.memory_space<vmem>>, vector<16xf32>,
        %add3A_479 = arith.constant 9216 : i32
        %add3A_480 = arith.addi %add3A_479, %add3A_462 : i32
        %add3A_481 = arith.constant 0 : i32
        %add3A_482 = arith.addi %add3A_480, %add3A_481 : i32
        %mul3A_483 = arith.mulf %while3A_371, %mul3A_305 : vector<16xf32>
        %swap3A_484 = arith.index_cast %add3A_482 : i32 to index
        %swap3A_485 = tpu.vector_load %arg8[%swap3A_484] {strides = array<i32>} : memref<27648xf32, #tpu.memory_space<vmem>>, vector<16xf32>,
        %swap3A_486 = vector.shape_cast %swap3A_485 : vector<16xf32> to vector<16xf32>
        %swap3A_487 = vector.shape_cast %mul3A_483 : vector<16xf32> to vector<16xf32>
        tpu.vector_store %arg8[%swap3A_484], %swap3A_487 {add = true, strides = array<i32>} : memref<27648xf32, #tpu.memory_space<vmem>>, vector<16xf32>,
        %add3A_488 = arith.constant 16 : i32
        %add3A_489 = arith.addi %add3A_480, %add3A_488 : i32
        %mul3A_490 = arith.mulf %while3A_371, %mul3A_306 : vector<16xf32>
        %swap3A_491 = arith.index_cast %add3A_489 : i32 to index
        %swap3A_492 = tpu.vector_load %arg8[%swap3A_491] {strides = array<i32>} : memref<27648xf32, #tpu.memory_space<vmem>>, vector<16xf32>,
        %swap3A_493 = vector.shape_cast %swap3A_492 : vector<16xf32> to vector<16xf32>
        %swap3A_494 = vector.shape_cast %mul3A_490 : vector<16xf32> to vector<16xf32>
        tpu.vector_store %arg8[%swap3A_491], %swap3A_494 {add = true, strides = array<i32>} : memref<27648xf32, #tpu.memory_space<vmem>>, vector<16xf32>,
        %add3A_495 = arith.constant 18432 : i32
        %add3A_496 = arith.addi %add3A_495, %add3A_462 : i32
        %add3A_497 = arith.constant 0 : i32
        %add3A_498 = arith.addi %add3A_496, %add3A_497 : i32
        %mul3A_499 = arith.mulf %while3A_371, %mul3A_320 : vector<16xf32>
        %swap3A_500 = arith.index_cast %add3A_498 : i32 to index
        %swap3A_501 = tpu.vector_load %arg8[%swap3A_500] {strides = array<i32>} : memref<27648xf32, #tpu.memory_space<vmem>>, vector<16xf32>,
        %swap3A_502 = vector.shape_cast %swap3A_501 : vector<16xf32> to vector<16xf32>
        %swap3A_503 = vector.shape_cast %mul3A_499 : vector<16xf32> to vector<16xf32>
        tpu.vector_store %arg8[%swap3A_500], %swap3A_503 {add = true, strides = array<i32>} : memref<27648xf32, #tpu.memory_space<vmem>>, vector<16xf32>,
        %add3A_504 = arith.constant 16 : i32
        %add3A_505 = arith.addi %add3A_496, %add3A_504 : i32
        %mul3A_506 = arith.mulf %while3A_371, %mul3A_321 : vector<16xf32>
        %swap3A_507 = arith.index_cast %add3A_505 : i32 to index
        %swap3A_508 = tpu.vector_load %arg8[%swap3A_507] {strides = array<i32>} : memref<27648xf32, #tpu.memory_space<vmem>>, vector<16xf32>,
        %swap3A_509 = vector.shape_cast %swap3A_508 : vector<16xf32> to vector<16xf32>
        %swap3A_510 = vector.shape_cast %mul3A_506 : vector<16xf32> to vector<16xf32>
        tpu.vector_store %arg8[%swap3A_507], %swap3A_510 {add = true, strides = array<i32>} : memref<27648xf32, #tpu.memory_space<vmem>>, vector<16xf32>,
        scf.yield %gather3A_390, %gather3A_406 : vector<16xf32>, vector<16xf32>
      }
      %and3A_364 = arith.constant 1 : i32
      %and3A_365 = arith.andi %sub3A_240, %and3A_364 : i32
      %ne3A = arith.constant 0 : i32
      %ne3A_366 = arith.cmpi ne, %and3A_365, %ne3A : i32
      %convert_element_type3A_367 = arith.extui %ne3A_366 : i1 to i32
      %cond3A = arith.constant 0 : i32
      %cond3A_368 = arith.cmpi ne, %convert_element_type3A_367, %cond3A : i32
      scf.if %cond3A_368 {
        %sub3A_369 = arith.constant 1 : i32
        %sub3A_370 = arith.subi %squeeze3A_42, %sub3A_369 : i32
        %sub3A_371 = arith.constant 1 : i32
        %sub3A_372 = arith.subi %squeeze3A_42, %sub3A_371 : i32
        %sub3A_373 = arith.subi %sub3A_372, %squeeze3A_44 : i32
        %get3A_374 = arith.index_cast %sub3A_373 : i32 to index
        %get3A_375 = tpu.vector_load %arg9[%get3A_374] {strides = array<i32>} : memref<64xf32, #tpu.memory_space<vmem>>, vector<16xf32>,
        %get3A_376 = vector.shape_cast %get3A_375 : vector<16xf32> to vector<16xf32>
        %lt3A_377 = arith.constant 0 : i32
        %lt3A_378 = vector.broadcast %lt3A_377 : i32 to vector<16xi32>
        %lt3A_379 = arith.cmpi slt, %broadcast_in_dim3A_12, %lt3A_378 : vector<16xi32>
        %add3A_380 = arith.constant 16 : i32
        %add3A_381 = vector.broadcast %add3A_380 : i32 to vector<16xi32>
        %add3A_382 = arith.addi %broadcast_in_dim3A_12, %add3A_381 : vector<16xi32>
        %select_n3A_383 = arith.select %lt3A_379, %add3A_382, %broadcast_in_dim3A_12 : vector<16xi1>, vector<16xi32>
        %broadcast_in_dim3A_384 = vector.shape_cast %select_n3A_383 : vector<16xi32> to vector<16x1xi32>
        %gather3A_385 = vector.shape_cast %broadcast_in_dim3A_384 : vector<16x1xi32> to vector<16xi32>
        %gather3A_386 = tpu.dynamic_gather %get3A_376[%gather3A_385] in [0] : vector<16xf32>, vector<16xi32> -> vector<16xf32>
        %mul3A_387 = arith.constant 96 : i32
        %mul3A_388 = arith.muli %sub3A_370, %mul3A_387 : i32
        %add3A_389 = arith.addi %mul3A_388, %squeeze3A_46 : i32
        %add3A_390 = arith.constant 0 : i32
        %add3A_391 = arith.addi %add3A_390, %add3A_389 : i32
        %add3A_392 = arith.constant 0 : i32
        %add3A_393 = arith.addi %add3A_391, %add3A_392 : i32
        %mul3A_394 = arith.mulf %gather3A_386, %mul3A_290 : vector<16xf32>
        %swap3A_395 = arith.index_cast %add3A_393 : i32 to index
        %swap3A_396 = tpu.vector_load %arg8[%swap3A_395] {strides = array<i32>} : memref<27648xf32, #tpu.memory_space<vmem>>, vector<16xf32>,
        %swap3A_397 = vector.shape_cast %swap3A_396 : vector<16xf32> to vector<16xf32>
        %swap3A_398 = vector.shape_cast %mul3A_394 : vector<16xf32> to vector<16xf32>
        tpu.vector_store %arg8[%swap3A_395], %swap3A_398 {add = true, strides = array<i32>} : memref<27648xf32, #tpu.memory_space<vmem>>, vector<16xf32>,
        %add3A_399 = arith.constant 16 : i32
        %add3A_400 = arith.addi %add3A_391, %add3A_399 : i32
        %mul3A_401 = arith.mulf %gather3A_386, %mul3A_291 : vector<16xf32>
        %swap3A_402 = arith.index_cast %add3A_400 : i32 to index
        %swap3A_403 = tpu.vector_load %arg8[%swap3A_402] {strides = array<i32>} : memref<27648xf32, #tpu.memory_space<vmem>>, vector<16xf32>,
        %swap3A_404 = vector.shape_cast %swap3A_403 : vector<16xf32> to vector<16xf32>
        %swap3A_405 = vector.shape_cast %mul3A_401 : vector<16xf32> to vector<16xf32>
        tpu.vector_store %arg8[%swap3A_402], %swap3A_405 {add = true, strides = array<i32>} : memref<27648xf32, #tpu.memory_space<vmem>>, vector<16xf32>,
        %add3A_406 = arith.constant 9216 : i32
        %add3A_407 = arith.addi %add3A_406, %add3A_389 : i32
        %add3A_408 = arith.constant 0 : i32
        %add3A_409 = arith.addi %add3A_407, %add3A_408 : i32
        %mul3A_410 = arith.mulf %gather3A_386, %mul3A_305 : vector<16xf32>
        %swap3A_411 = arith.index_cast %add3A_409 : i32 to index
        %swap3A_412 = tpu.vector_load %arg8[%swap3A_411] {strides = array<i32>} : memref<27648xf32, #tpu.memory_space<vmem>>, vector<16xf32>,
        %swap3A_413 = vector.shape_cast %swap3A_412 : vector<16xf32> to vector<16xf32>
        %swap3A_414 = vector.shape_cast %mul3A_410 : vector<16xf32> to vector<16xf32>
        tpu.vector_store %arg8[%swap3A_411], %swap3A_414 {add = true, strides = array<i32>} : memref<27648xf32, #tpu.memory_space<vmem>>, vector<16xf32>,
        %add3A_415 = arith.constant 16 : i32
        %add3A_416 = arith.addi %add3A_407, %add3A_415 : i32
        %mul3A_417 = arith.mulf %gather3A_386, %mul3A_306 : vector<16xf32>
        %swap3A_418 = arith.index_cast %add3A_416 : i32 to index
        %swap3A_419 = tpu.vector_load %arg8[%swap3A_418] {strides = array<i32>} : memref<27648xf32, #tpu.memory_space<vmem>>, vector<16xf32>,
        %swap3A_420 = vector.shape_cast %swap3A_419 : vector<16xf32> to vector<16xf32>
        %swap3A_421 = vector.shape_cast %mul3A_417 : vector<16xf32> to vector<16xf32>
        tpu.vector_store %arg8[%swap3A_418], %swap3A_421 {add = true, strides = array<i32>} : memref<27648xf32, #tpu.memory_space<vmem>>, vector<16xf32>,
        %add3A_422 = arith.constant 18432 : i32
        %add3A_423 = arith.addi %add3A_422, %add3A_389 : i32
        %add3A_424 = arith.constant 0 : i32
        %add3A_425 = arith.addi %add3A_423, %add3A_424 : i32
        %mul3A_426 = arith.mulf %gather3A_386, %mul3A_320 : vector<16xf32>
        %swap3A_427 = arith.index_cast %add3A_425 : i32 to index
        %swap3A_428 = tpu.vector_load %arg8[%swap3A_427] {strides = array<i32>} : memref<27648xf32, #tpu.memory_space<vmem>>, vector<16xf32>,
        %swap3A_429 = vector.shape_cast %swap3A_428 : vector<16xf32> to vector<16xf32>
        %swap3A_430 = vector.shape_cast %mul3A_426 : vector<16xf32> to vector<16xf32>
        tpu.vector_store %arg8[%swap3A_427], %swap3A_430 {add = true, strides = array<i32>} : memref<27648xf32, #tpu.memory_space<vmem>>, vector<16xf32>,
        %add3A_431 = arith.constant 16 : i32
        %add3A_432 = arith.addi %add3A_423, %add3A_431 : i32
        %mul3A_433 = arith.mulf %gather3A_386, %mul3A_321 : vector<16xf32>
        %swap3A_434 = arith.index_cast %add3A_432 : i32 to index
        %swap3A_435 = tpu.vector_load %arg8[%swap3A_434] {strides = array<i32>} : memref<27648xf32, #tpu.memory_space<vmem>>, vector<16xf32>,
        %swap3A_436 = vector.shape_cast %swap3A_435 : vector<16xf32> to vector<16xf32>
        %swap3A_437 = vector.shape_cast %mul3A_433 : vector<16xf32> to vector<16xf32>
        tpu.vector_store %arg8[%swap3A_434], %swap3A_437 {add = true, strides = array<i32>} : memref<27648xf32, #tpu.memory_space<vmem>>, vector<16xf32>,
      } else {
      }
    }
    %while3A_23 = arith.constant 1 : i32
    scf.for %while3A_26 = %while3A_21 to %while3A_17 step %while3A_23  : i32 {
      %add3A_27 = arith.constant 16 : i32
      %add3A_28 = arith.addi %add3A_27, %while3A_26 : i32
      %get3A_29 = arith.index_cast %add3A_28 : i32 to index
      %get3A_30 = tpu.vector_load %arg10[%get3A_29] {strides = array<i32>} : memref<1056xi32, #tpu.memory_space<vmem>>, vector<16xi32>,
      %get3A_31 = vector.shape_cast %get3A_30 : vector<16xi32> to vector<16xi32>
      %slice3A_32 = vector.extract_strided_slice %get3A_31 {offsets = [0], sizes = [1], strides = [1]} : vector<16xi32> to vector<1xi32>
      %squeeze3A_33 = vector.extract %slice3A_32[0] : i32 from vector<1xi32>
      %mul3A_34 = arith.constant 16 : i32
      %mul3A_35 = arith.muli %squeeze3A_33, %mul3A_34 : i32
      %get3A_36 = arith.index_cast %mul3A_35 : i32 to index
      %get3A_37 = tpu.vector_load %arg7[%get3A_36] {strides = array<i32>} : memref<16384xi32, #tpu.memory_space<vmem>>, vector<16xi32>,
      %get3A_38 = vector.shape_cast %get3A_37 : vector<16xi32> to vector<16xi32>
      %slice3A_39 = vector.extract_strided_slice %get3A_38 {offsets = [2], sizes = [1], strides = [1]} : vector<16xi32> to vector<1xi32>
      %squeeze3A_40 = vector.extract %slice3A_39[0] : i32 from vector<1xi32>
      %slice3A_41 = vector.extract_strided_slice %get3A_38 {offsets = [3], sizes = [1], strides = [1]} : vector<16xi32> to vector<1xi32>
      %squeeze3A_42 = vector.extract %slice3A_41[0] : i32 from vector<1xi32>
      %slice3A_43 = vector.extract_strided_slice %get3A_38 {offsets = [6], sizes = [1], strides = [1]} : vector<16xi32> to vector<1xi32>
      %squeeze3A_44 = vector.extract %slice3A_43[0] : i32 from vector<1xi32>
      %slice3A_45 = vector.extract_strided_slice %get3A_38 {offsets = [7], sizes = [1], strides = [1]} : vector<16xi32> to vector<1xi32>
      %squeeze3A_46 = vector.extract %slice3A_45[0] : i32 from vector<1xi32>
      %lt3A = arith.constant 0 : i32
      %lt3A_47 = vector.broadcast %lt3A : i32 to vector<16xi32>
      %lt3A_48 = arith.cmpi slt, %broadcast_in_dim3A_12, %lt3A_47 : vector<16xi32>
      %add3A_49 = arith.constant 16 : i32
      %add3A_50 = vector.broadcast %add3A_49 : i32 to vector<16xi32>
      %add3A_51 = arith.addi %broadcast_in_dim3A_12, %add3A_50 : vector<16xi32>
      %select_n3A = arith.select %lt3A_48, %add3A_51, %broadcast_in_dim3A_12 : vector<16xi1>, vector<16xi32>
      %broadcast_in_dim3A_52 = vector.shape_cast %select_n3A : vector<16xi32> to vector<16x1xi32>
      %gather3A = vector.shape_cast %broadcast_in_dim3A_52 : vector<16x1xi32> to vector<16xi32>
      %gather3A_53 = tpu.dynamic_gather %get3A_38[%gather3A] in [0] : vector<16xi32>, vector<16xi32> -> vector<16xi32>
      %add3A_54 = arith.constant 1 : i32
      %add3A_55 = vector.broadcast %add3A_54 : i32 to vector<16xi32>
      %add3A_56 = arith.addi %broadcast_in_dim3A_12, %add3A_55 : vector<16xi32>
      %lt3A_57 = arith.constant 0 : i32
      %lt3A_58 = vector.broadcast %lt3A_57 : i32 to vector<16xi32>
      %lt3A_59 = arith.cmpi slt, %add3A_56, %lt3A_58 : vector<16xi32>
      %add3A_60 = arith.constant 16 : i32
      %add3A_61 = vector.broadcast %add3A_60 : i32 to vector<16xi32>
      %add3A_62 = arith.addi %add3A_56, %add3A_61 : vector<16xi32>
      %select_n3A_63 = arith.select %lt3A_59, %add3A_62, %add3A_56 : vector<16xi1>, vector<16xi32>
      %broadcast_in_dim3A_64 = vector.shape_cast %select_n3A_63 : vector<16xi32> to vector<16x1xi32>
      %gather3A_65 = vector.shape_cast %broadcast_in_dim3A_64 : vector<16x1xi32> to vector<16xi32>
      %gather3A_66 = tpu.dynamic_gather %get3A_38[%gather3A_65] in [0] : vector<16xi32>, vector<16xi32> -> vector<16xi32>
      %add3A_67 = arith.constant 2 : i32
      %add3A_68 = vector.broadcast %add3A_67 : i32 to vector<16xi32>
      %add3A_69 = arith.addi %broadcast_in_dim3A_12, %add3A_68 : vector<16xi32>
      %lt3A_70 = arith.constant 0 : i32
      %lt3A_71 = vector.broadcast %lt3A_70 : i32 to vector<16xi32>
      %lt3A_72 = arith.cmpi slt, %add3A_69, %lt3A_71 : vector<16xi32>
      %add3A_73 = arith.constant 16 : i32
      %add3A_74 = vector.broadcast %add3A_73 : i32 to vector<16xi32>
      %add3A_75 = arith.addi %add3A_69, %add3A_74 : vector<16xi32>
      %select_n3A_76 = arith.select %lt3A_72, %add3A_75, %add3A_69 : vector<16xi1>, vector<16xi32>
      %broadcast_in_dim3A_77 = vector.shape_cast %select_n3A_76 : vector<16xi32> to vector<16x1xi32>
      %gather3A_78 = vector.shape_cast %broadcast_in_dim3A_77 : vector<16x1xi32> to vector<16xi32>
      %gather3A_79 = tpu.dynamic_gather %get3A_38[%gather3A_78] in [0] : vector<16xi32>, vector<16xi32> -> vector<16xi32>
      %add3A_80 = arith.constant 3 : i32
      %add3A_81 = vector.broadcast %add3A_80 : i32 to vector<16xi32>
      %add3A_82 = arith.addi %broadcast_in_dim3A_12, %add3A_81 : vector<16xi32>
      %lt3A_83 = arith.constant 0 : i32
      %lt3A_84 = vector.broadcast %lt3A_83 : i32 to vector<16xi32>
      %lt3A_85 = arith.cmpi slt, %add3A_82, %lt3A_84 : vector<16xi32>
      %add3A_86 = arith.constant 16 : i32
      %add3A_87 = vector.broadcast %add3A_86 : i32 to vector<16xi32>
      %add3A_88 = arith.addi %add3A_82, %add3A_87 : vector<16xi32>
      %select_n3A_89 = arith.select %lt3A_85, %add3A_88, %add3A_82 : vector<16xi1>, vector<16xi32>
      %broadcast_in_dim3A_90 = vector.shape_cast %select_n3A_89 : vector<16xi32> to vector<16x1xi32>
      %gather3A_91 = vector.shape_cast %broadcast_in_dim3A_90 : vector<16x1xi32> to vector<16xi32>
      %gather3A_92 = tpu.dynamic_gather %get3A_38[%gather3A_91] in [0] : vector<16xi32>, vector<16xi32> -> vector<16xi32>
      %add3A_93 = arith.constant 4 : i32
      %add3A_94 = vector.broadcast %add3A_93 : i32 to vector<16xi32>
      %add3A_95 = arith.addi %broadcast_in_dim3A_12, %add3A_94 : vector<16xi32>
      %lt3A_96 = arith.constant 0 : i32
      %lt3A_97 = vector.broadcast %lt3A_96 : i32 to vector<16xi32>
      %lt3A_98 = arith.cmpi slt, %add3A_95, %lt3A_97 : vector<16xi32>
      %add3A_99 = arith.constant 16 : i32
      %add3A_100 = vector.broadcast %add3A_99 : i32 to vector<16xi32>
      %add3A_101 = arith.addi %add3A_95, %add3A_100 : vector<16xi32>
      %select_n3A_102 = arith.select %lt3A_98, %add3A_101, %add3A_95 : vector<16xi1>, vector<16xi32>
      %broadcast_in_dim3A_103 = vector.shape_cast %select_n3A_102 : vector<16xi32> to vector<16x1xi32>
      %gather3A_104 = vector.shape_cast %broadcast_in_dim3A_103 : vector<16x1xi32> to vector<16xi32>
      %gather3A_105 = tpu.dynamic_gather %get3A_38[%gather3A_104] in [0] : vector<16xi32>, vector<16xi32> -> vector<16xi32>
      %add3A_106 = arith.constant 5 : i32
      %add3A_107 = vector.broadcast %add3A_106 : i32 to vector<16xi32>
      %add3A_108 = arith.addi %broadcast_in_dim3A_12, %add3A_107 : vector<16xi32>
      %lt3A_109 = arith.constant 0 : i32
      %lt3A_110 = vector.broadcast %lt3A_109 : i32 to vector<16xi32>
      %lt3A_111 = arith.cmpi slt, %add3A_108, %lt3A_110 : vector<16xi32>
      %add3A_112 = arith.constant 16 : i32
      %add3A_113 = vector.broadcast %add3A_112 : i32 to vector<16xi32>
      %add3A_114 = arith.addi %add3A_108, %add3A_113 : vector<16xi32>
      %select_n3A_115 = arith.select %lt3A_111, %add3A_114, %add3A_108 : vector<16xi1>, vector<16xi32>
      %broadcast_in_dim3A_116 = vector.shape_cast %select_n3A_115 : vector<16xi32> to vector<16x1xi32>
      %gather3A_117 = vector.shape_cast %broadcast_in_dim3A_116 : vector<16x1xi32> to vector<16xi32>
      %gather3A_118 = tpu.dynamic_gather %get3A_38[%gather3A_117] in [0] : vector<16xi32>, vector<16xi32> -> vector<16xi32>
      %mul3A_119 = arith.constant 16 : i32
      %mul3A_120 = arith.muli %squeeze3A_33, %mul3A_119 : i32
      %get3A_121 = arith.index_cast %mul3A_120 : i32 to index
      %get3A_122 = tpu.vector_load %arg6[%get3A_121] {strides = array<i32>} : memref<16384xf32, #tpu.memory_space<vmem>>, vector<16xf32>,
      %get3A_123 = vector.shape_cast %get3A_122 : vector<16xf32> to vector<16xf32>
      %lt3A_124 = arith.constant 0 : i32
      %lt3A_125 = vector.broadcast %lt3A_124 : i32 to vector<16xi32>
      %lt3A_126 = arith.cmpi slt, %broadcast_in_dim3A_12, %lt3A_125 : vector<16xi32>
      %add3A_127 = arith.constant 16 : i32
      %add3A_128 = vector.broadcast %add3A_127 : i32 to vector<16xi32>
      %add3A_129 = arith.addi %broadcast_in_dim3A_12, %add3A_128 : vector<16xi32>
      %select_n3A_130 = arith.select %lt3A_126, %add3A_129, %broadcast_in_dim3A_12 : vector<16xi1>, vector<16xi32>
      %broadcast_in_dim3A_131 = vector.shape_cast %select_n3A_130 : vector<16xi32> to vector<16x1xi32>
      %gather3A_132 = vector.shape_cast %broadcast_in_dim3A_131 : vector<16x1xi32> to vector<16xi32>
      %gather3A_133 = tpu.dynamic_gather %get3A_123[%gather3A_132] in [0] : vector<16xf32>, vector<16xi32> -> vector<16xf32>
      %add3A_134 = arith.constant 1 : i32
      %add3A_135 = vector.broadcast %add3A_134 : i32 to vector<16xi32>
      %add3A_136 = arith.addi %broadcast_in_dim3A_12, %add3A_135 : vector<16xi32>
      %lt3A_137 = arith.constant 0 : i32
      %lt3A_138 = vector.broadcast %lt3A_137 : i32 to vector<16xi32>
      %lt3A_139 = arith.cmpi slt, %add3A_136, %lt3A_138 : vector<16xi32>
      %add3A_140 = arith.constant 16 : i32
      %add3A_141 = vector.broadcast %add3A_140 : i32 to vector<16xi32>
      %add3A_142 = arith.addi %add3A_136, %add3A_141 : vector<16xi32>
      %select_n3A_143 = arith.select %lt3A_139, %add3A_142, %add3A_136 : vector<16xi1>, vector<16xi32>
      %broadcast_in_dim3A_144 = vector.shape_cast %select_n3A_143 : vector<16xi32> to vector<16x1xi32>
      %gather3A_145 = vector.shape_cast %broadcast_in_dim3A_144 : vector<16x1xi32> to vector<16xi32>
      %gather3A_146 = tpu.dynamic_gather %get3A_123[%gather3A_145] in [0] : vector<16xf32>, vector<16xi32> -> vector<16xf32>
      %add3A_147 = arith.constant 2 : i32
      %add3A_148 = vector.broadcast %add3A_147 : i32 to vector<16xi32>
      %add3A_149 = arith.addi %broadcast_in_dim3A_12, %add3A_148 : vector<16xi32>
      %lt3A_150 = arith.constant 0 : i32
      %lt3A_151 = vector.broadcast %lt3A_150 : i32 to vector<16xi32>
      %lt3A_152 = arith.cmpi slt, %add3A_149, %lt3A_151 : vector<16xi32>
      %add3A_153 = arith.constant 16 : i32
      %add3A_154 = vector.broadcast %add3A_153 : i32 to vector<16xi32>
      %add3A_155 = arith.addi %add3A_149, %add3A_154 : vector<16xi32>
      %select_n3A_156 = arith.select %lt3A_152, %add3A_155, %add3A_149 : vector<16xi1>, vector<16xi32>
      %broadcast_in_dim3A_157 = vector.shape_cast %select_n3A_156 : vector<16xi32> to vector<16x1xi32>
      %gather3A_158 = vector.shape_cast %broadcast_in_dim3A_157 : vector<16x1xi32> to vector<16xi32>
      %gather3A_159 = tpu.dynamic_gather %get3A_123[%gather3A_158] in [0] : vector<16xf32>, vector<16xi32> -> vector<16xf32>
      %add3A_160 = arith.constant 3 : i32
      %add3A_161 = vector.broadcast %add3A_160 : i32 to vector<16xi32>
      %add3A_162 = arith.addi %broadcast_in_dim3A_12, %add3A_161 : vector<16xi32>
      %lt3A_163 = arith.constant 0 : i32
      %lt3A_164 = vector.broadcast %lt3A_163 : i32 to vector<16xi32>
      %lt3A_165 = arith.cmpi slt, %add3A_162, %lt3A_164 : vector<16xi32>
      %add3A_166 = arith.constant 16 : i32
      %add3A_167 = vector.broadcast %add3A_166 : i32 to vector<16xi32>
      %add3A_168 = arith.addi %add3A_162, %add3A_167 : vector<16xi32>
      %select_n3A_169 = arith.select %lt3A_165, %add3A_168, %add3A_162 : vector<16xi1>, vector<16xi32>
      %broadcast_in_dim3A_170 = vector.shape_cast %select_n3A_169 : vector<16xi32> to vector<16x1xi32>
      %gather3A_171 = vector.shape_cast %broadcast_in_dim3A_170 : vector<16x1xi32> to vector<16xi32>
      %gather3A_172 = tpu.dynamic_gather %get3A_123[%gather3A_171] in [0] : vector<16xf32>, vector<16xi32> -> vector<16xf32>
      %add3A_173 = arith.constant 4 : i32
      %add3A_174 = vector.broadcast %add3A_173 : i32 to vector<16xi32>
      %add3A_175 = arith.addi %broadcast_in_dim3A_12, %add3A_174 : vector<16xi32>
      %lt3A_176 = arith.constant 0 : i32
      %lt3A_177 = vector.broadcast %lt3A_176 : i32 to vector<16xi32>
      %lt3A_178 = arith.cmpi slt, %add3A_175, %lt3A_177 : vector<16xi32>
      %add3A_179 = arith.constant 16 : i32
      %add3A_180 = vector.broadcast %add3A_179 : i32 to vector<16xi32>
      %add3A_181 = arith.addi %add3A_175, %add3A_180 : vector<16xi32>
      %select_n3A_182 = arith.select %lt3A_178, %add3A_181, %add3A_175 : vector<16xi1>, vector<16xi32>
      %broadcast_in_dim3A_183 = vector.shape_cast %select_n3A_182 : vector<16xi32> to vector<16x1xi32>
      %gather3A_184 = vector.shape_cast %broadcast_in_dim3A_183 : vector<16x1xi32> to vector<16xi32>
      %gather3A_185 = tpu.dynamic_gather %get3A_123[%gather3A_184] in [0] : vector<16xf32>, vector<16xi32> -> vector<16xf32>
      %add3A_186 = vector.broadcast %mul3A_2 : i32 to vector<16xi32>
      %add3A_187 = arith.addi %iota3A, %add3A_186 : vector<16xi32>
      %convert_element_type3A = arith.sitofp %add3A_187 : vector<16xi32> to vector<16xf32>
      %mul3A_188 = arith.constant 0.0105263162 : f32
      %mul3A_189 = vector.broadcast %mul3A_188 : f32 to vector<16xf32>
      %mul3A_190 = arith.mulf %convert_element_type3A, %mul3A_189 : vector<16xf32>
      %sub3A = arith.subf %mul3A_190, %gather3A_133 : vector<16xf32>
      %ge3A = arith.cmpi sge, %add3A_187, %gather3A_53 : vector<16xi32>
      %lt3A_191 = arith.cmpi slt, %add3A_187, %gather3A_66 : vector<16xi32>
      %and3A = arith.andi %ge3A, %lt3A_191 : vector<16xi1>
      %mul3A_192 = arith.mulf %sub3A, %sub3A : vector<16xf32>
      %mul3A_193 = arith.mulf %gather3A_172, %mul3A_192 : vector<16xf32>
      %exp3A = math.exp %mul3A_193 : vector<16xf32>
      %mul3A_194 = arith.mulf %gather3A_185, %exp3A : vector<16xf32>
      %jit3A = arith.constant 0.000000e+00 : f32
      %broadcast_in_dim3A_195 = vector.broadcast %jit3A : f32 to vector<16xf32>
      %select_n3A_196 = arith.select %and3A, %mul3A_194, %broadcast_in_dim3A_195 : vector<16xi1>, vector<16xf32>
      %add3A_197 = arith.constant 0 : i32
      %add3A_198 = arith.addi %squeeze3A_44, %add3A_197 : i32
      %add3A_199 = vector.broadcast %add3A_198 : i32 to vector<16xi32>
      %add3A_200 = arith.addi %iota3A, %add3A_199 : vector<16xi32>
      %convert_element_type3A_201 = arith.sitofp %add3A_200 : vector<16xi32> to vector<16xf32>
      %mul3A_202 = arith.constant 0.0105263162 : f32
      %mul3A_203 = vector.broadcast %mul3A_202 : f32 to vector<16xf32>
      %mul3A_204 = arith.mulf %convert_element_type3A_201, %mul3A_203 : vector<16xf32>
      %sub3A_205 = arith.subf %mul3A_204, %gather3A_146 : vector<16xf32>
      %ge3A_206 = arith.cmpi sge, %add3A_200, %gather3A_79 : vector<16xi32>
      %lt3A_207 = arith.cmpi slt, %add3A_200, %gather3A_92 : vector<16xi32>
      %and3A_208 = arith.andi %ge3A_206, %lt3A_207 : vector<16xi1>
      %mul3A_209 = arith.mulf %sub3A_205, %sub3A_205 : vector<16xf32>
      %mul3A_210 = arith.mulf %gather3A_172, %mul3A_209 : vector<16xf32>
      %exp3A_211 = math.exp %mul3A_210 : vector<16xf32>
      %jit3A_212 = arith.constant 0.000000e+00 : f32
      %broadcast_in_dim3A_213 = vector.broadcast %jit3A_212 : f32 to vector<16xf32>
      %select_n3A_214 = arith.select %and3A_208, %exp3A_211, %broadcast_in_dim3A_213 : vector<16xi1>, vector<16xf32>
      %swap3A = arith.constant 0 : index
      %swap3A_215 = tpu.vector_load %arg9[%swap3A] {strides = array<i32>} : memref<64xf32, #tpu.memory_space<vmem>>, vector<16xf32>,
      %swap3A_216 = vector.shape_cast %swap3A_215 : vector<16xf32> to vector<16xf32>
      %swap3A_217 = vector.shape_cast %select_n3A_214 : vector<16xf32> to vector<16xf32>
      tpu.vector_store %arg9[%swap3A], %swap3A_217 {strides = array<i32>} : memref<64xf32, #tpu.memory_space<vmem>>, vector<16xf32>,
      %add3A_218 = arith.constant 16 : i32
      %add3A_219 = arith.addi %squeeze3A_44, %add3A_218 : i32
      %add3A_220 = vector.broadcast %add3A_219 : i32 to vector<16xi32>
      %add3A_221 = arith.addi %iota3A, %add3A_220 : vector<16xi32>
      %convert_element_type3A_222 = arith.sitofp %add3A_221 : vector<16xi32> to vector<16xf32>
      %mul3A_223 = arith.constant 0.0105263162 : f32
      %mul3A_224 = vector.broadcast %mul3A_223 : f32 to vector<16xf32>
      %mul3A_225 = arith.mulf %convert_element_type3A_222, %mul3A_224 : vector<16xf32>
      %sub3A_226 = arith.subf %mul3A_225, %gather3A_146 : vector<16xf32>
      %ge3A_227 = arith.cmpi sge, %add3A_221, %gather3A_79 : vector<16xi32>
      %lt3A_228 = arith.cmpi slt, %add3A_221, %gather3A_92 : vector<16xi32>
      %and3A_229 = arith.andi %ge3A_227, %lt3A_228 : vector<16xi1>
      %mul3A_230 = arith.mulf %sub3A_226, %sub3A_226 : vector<16xf32>
      %mul3A_231 = arith.mulf %gather3A_172, %mul3A_230 : vector<16xf32>
      %exp3A_232 = math.exp %mul3A_231 : vector<16xf32>
      %jit3A_233 = arith.constant 0.000000e+00 : f32
      %broadcast_in_dim3A_234 = vector.broadcast %jit3A_233 : f32 to vector<16xf32>
      %select_n3A_235 = arith.select %and3A_229, %exp3A_232, %broadcast_in_dim3A_234 : vector<16xi1>, vector<16xf32>
      %swap3A_236 = arith.constant 16 : index
      %swap3A_237 = tpu.vector_load %arg9[%swap3A_236] {strides = array<i32>} : memref<64xf32, #tpu.memory_space<vmem>>, vector<16xf32>,
      %swap3A_238 = vector.shape_cast %swap3A_237 : vector<16xf32> to vector<16xf32>
      %swap3A_239 = vector.shape_cast %select_n3A_235 : vector<16xf32> to vector<16xf32>
      tpu.vector_store %arg9[%swap3A_236], %swap3A_239 {strides = array<i32>} : memref<64xf32, #tpu.memory_space<vmem>>, vector<16xf32>,
      %sub3A_240 = arith.subi %squeeze3A_42, %squeeze3A_40 : i32
      %add3A_241 = arith.constant 0 : i32
      %add3A_242 = arith.addi %squeeze3A_46, %add3A_241 : i32
      %add3A_243 = vector.broadcast %add3A_242 : i32 to vector<16xi32>
      %add3A_244 = arith.addi %iota3A, %add3A_243 : vector<16xi32>
      %convert_element_type3A_245 = arith.sitofp %add3A_244 : vector<16xi32> to vector<16xf32>
      %mul3A_246 = arith.constant 0.0105263162 : f32
      %mul3A_247 = vector.broadcast %mul3A_246 : f32 to vector<16xf32>
      %mul3A_248 = arith.mulf %convert_element_type3A_245, %mul3A_247 : vector<16xf32>
      %sub3A_249 = arith.subf %mul3A_248, %gather3A_159 : vector<16xf32>
      %ge3A_250 = arith.cmpi sge, %add3A_244, %gather3A_105 : vector<16xi32>
      %lt3A_251 = arith.cmpi slt, %add3A_244, %gather3A_118 : vector<16xi32>
      %and3A_252 = arith.andi %ge3A_250, %lt3A_251 : vector<16xi1>
      %mul3A_253 = arith.mulf %sub3A_249, %sub3A_249 : vector<16xf32>
      %mul3A_254 = arith.mulf %gather3A_172, %mul3A_253 : vector<16xf32>
      %exp3A_255 = math.exp %mul3A_254 : vector<16xf32>
      %jit3A_256 = arith.constant 0.000000e+00 : f32
      %broadcast_in_dim3A_257 = vector.broadcast %jit3A_256 : f32 to vector<16xf32>
      %select_n3A_258 = arith.select %and3A_252, %exp3A_255, %broadcast_in_dim3A_257 : vector<16xi1>, vector<16xf32>
      %add3A_259 = arith.constant 16 : i32
      %add3A_260 = arith.addi %squeeze3A_46, %add3A_259 : i32
      %add3A_261 = vector.broadcast %add3A_260 : i32 to vector<16xi32>
      %add3A_262 = arith.addi %iota3A, %add3A_261 : vector<16xi32>
      %convert_element_type3A_263 = arith.sitofp %add3A_262 : vector<16xi32> to vector<16xf32>
      %mul3A_264 = arith.constant 0.0105263162 : f32
      %mul3A_265 = vector.broadcast %mul3A_264 : f32 to vector<16xf32>
      %mul3A_266 = arith.mulf %convert_element_type3A_263, %mul3A_265 : vector<16xf32>
      %sub3A_267 = arith.subf %mul3A_266, %gather3A_159 : vector<16xf32>
      %ge3A_268 = arith.cmpi sge, %add3A_262, %gather3A_105 : vector<16xi32>
      %lt3A_269 = arith.cmpi slt, %add3A_262, %gather3A_118 : vector<16xi32>
      %and3A_270 = arith.andi %ge3A_268, %lt3A_269 : vector<16xi1>
      %mul3A_271 = arith.mulf %sub3A_267, %sub3A_267 : vector<16xf32>
      %mul3A_272 = arith.mulf %gather3A_172, %mul3A_271 : vector<16xf32>
      %exp3A_273 = math.exp %mul3A_272 : vector<16xf32>
      %jit3A_274 = arith.constant 0.000000e+00 : f32
      %broadcast_in_dim3A_275 = vector.broadcast %jit3A_274 : f32 to vector<16xf32>
      %select_n3A_276 = arith.select %and3A_270, %exp3A_273, %broadcast_in_dim3A_275 : vector<16xi1>, vector<16xf32>
      %add3A_277 = arith.constant 0 : i32
      %add3A_278 = vector.broadcast %add3A_277 : i32 to vector<16xi32>
      %add3A_279 = arith.addi %broadcast_in_dim3A_12, %add3A_278 : vector<16xi32>
      %lt3A_280 = arith.constant 0 : i32
      %lt3A_281 = vector.broadcast %lt3A_280 : i32 to vector<16xi32>
      %lt3A_282 = arith.cmpi slt, %add3A_279, %lt3A_281 : vector<16xi32>
      %add3A_283 = arith.constant 16 : i32
      %add3A_284 = vector.broadcast %add3A_283 : i32 to vector<16xi32>
      %add3A_285 = arith.addi %add3A_279, %add3A_284 : vector<16xi32>
      %select_n3A_286 = arith.select %lt3A_282, %add3A_285, %add3A_279 : vector<16xi1>, vector<16xi32>
      %broadcast_in_dim3A_287 = vector.shape_cast %select_n3A_286 : vector<16xi32> to vector<16x1xi32>
      %gather3A_288 = vector.shape_cast %broadcast_in_dim3A_287 : vector<16x1xi32> to vector<16xi32>
      %gather3A_289 = tpu.dynamic_gather %select_n3A_196[%gather3A_288] in [0] : vector<16xf32>, vector<16xi32> -> vector<16xf32>
      %mul3A_290 = arith.mulf %gather3A_289, %select_n3A_258 : vector<16xf32>
      %mul3A_291 = arith.mulf %gather3A_289, %select_n3A_276 : vector<16xf32>
      %add3A_292 = arith.constant 1 : i32
      %add3A_293 = vector.broadcast %add3A_292 : i32 to vector<16xi32>
      %add3A_294 = arith.addi %broadcast_in_dim3A_12, %add3A_293 : vector<16xi32>
      %lt3A_295 = arith.constant 0 : i32
      %lt3A_296 = vector.broadcast %lt3A_295 : i32 to vector<16xi32>
      %lt3A_297 = arith.cmpi slt, %add3A_294, %lt3A_296 : vector<16xi32>
      %add3A_298 = arith.constant 16 : i32
      %add3A_299 = vector.broadcast %add3A_298 : i32 to vector<16xi32>
      %add3A_300 = arith.addi %add3A_294, %add3A_299 : vector<16xi32>
      %select_n3A_301 = arith.select %lt3A_297, %add3A_300, %add3A_294 : vector<16xi1>, vector<16xi32>
      %broadcast_in_dim3A_302 = vector.shape_cast %select_n3A_301 : vector<16xi32> to vector<16x1xi32>
      %gather3A_303 = vector.shape_cast %broadcast_in_dim3A_302 : vector<16x1xi32> to vector<16xi32>
      %gather3A_304 = tpu.dynamic_gather %select_n3A_196[%gather3A_303] in [0] : vector<16xf32>, vector<16xi32> -> vector<16xf32>
      %mul3A_305 = arith.mulf %gather3A_304, %select_n3A_258 : vector<16xf32>
      %mul3A_306 = arith.mulf %gather3A_304, %select_n3A_276 : vector<16xf32>
      %add3A_307 = arith.constant 2 : i32
      %add3A_308 = vector.broadcast %add3A_307 : i32 to vector<16xi32>
      %add3A_309 = arith.addi %broadcast_in_dim3A_12, %add3A_308 : vector<16xi32>
      %lt3A_310 = arith.constant 0 : i32
      %lt3A_311 = vector.broadcast %lt3A_310 : i32 to vector<16xi32>
      %lt3A_312 = arith.cmpi slt, %add3A_309, %lt3A_311 : vector<16xi32>
      %add3A_313 = arith.constant 16 : i32
      %add3A_314 = vector.broadcast %add3A_313 : i32 to vector<16xi32>
      %add3A_315 = arith.addi %add3A_309, %add3A_314 : vector<16xi32>
      %select_n3A_316 = arith.select %lt3A_312, %add3A_315, %add3A_309 : vector<16xi1>, vector<16xi32>
      %broadcast_in_dim3A_317 = vector.shape_cast %select_n3A_316 : vector<16xi32> to vector<16x1xi32>
      %gather3A_318 = vector.shape_cast %broadcast_in_dim3A_317 : vector<16x1xi32> to vector<16xi32>
      %gather3A_319 = tpu.dynamic_gather %select_n3A_196[%gather3A_318] in [0] : vector<16xf32>, vector<16xi32> -> vector<16xf32>
      %mul3A_320 = arith.mulf %gather3A_319, %select_n3A_258 : vector<16xf32>
      %mul3A_321 = arith.mulf %gather3A_319, %select_n3A_276 : vector<16xf32>
      %shift_right_arithmetic3A = arith.constant 1 : i32
      %shift_right_arithmetic3A_322 = arith.shrsi %sub3A_240, %shift_right_arithmetic3A : i32
      %sub3A_323 = arith.subi %squeeze3A_40, %squeeze3A_44 : i32
      %get3A_324 = arith.index_cast %sub3A_323 : i32 to index
      %get3A_325 = tpu.vector_load %arg9[%get3A_324] {strides = array<i32>} : memref<64xf32, #tpu.memory_space<vmem>>, vector<16xf32>,
      %get3A_326 = vector.shape_cast %get3A_325 : vector<16xf32> to vector<16xf32>
      %lt3A_327 = arith.constant 0 : i32
      %lt3A_328 = vector.broadcast %lt3A_327 : i32 to vector<16xi32>
      %lt3A_329 = arith.cmpi slt, %broadcast_in_dim3A_12, %lt3A_328 : vector<16xi32>
      %add3A_330 = arith.constant 16 : i32
      %add3A_331 = vector.broadcast %add3A_330 : i32 to vector<16xi32>
      %add3A_332 = arith.addi %broadcast_in_dim3A_12, %add3A_331 : vector<16xi32>
      %select_n3A_333 = arith.select %lt3A_329, %add3A_332, %broadcast_in_dim3A_12 : vector<16xi1>, vector<16xi32>
      %broadcast_in_dim3A_334 = vector.shape_cast %select_n3A_333 : vector<16xi32> to vector<16x1xi32>
      %gather3A_335 = vector.shape_cast %broadcast_in_dim3A_334 : vector<16x1xi32> to vector<16xi32>
      %gather3A_336 = tpu.dynamic_gather %get3A_326[%gather3A_335] in [0] : vector<16xf32>, vector<16xi32> -> vector<16xf32>
      %add3A_337 = arith.constant 1 : i32
      %add3A_338 = arith.addi %squeeze3A_40, %add3A_337 : i32
      %sub3A_339 = arith.subi %add3A_338, %squeeze3A_44 : i32
      %get3A_340 = arith.index_cast %sub3A_339 : i32 to index
      %get3A_341 = tpu.vector_load %arg9[%get3A_340] {strides = array<i32>} : memref<64xf32, #tpu.memory_space<vmem>>, vector<16xf32>,
      %get3A_342 = vector.shape_cast %get3A_341 : vector<16xf32> to vector<16xf32>
      %lt3A_343 = arith.constant 0 : i32
      %lt3A_344 = vector.broadcast %lt3A_343 : i32 to vector<16xi32>
      %lt3A_345 = arith.cmpi slt, %broadcast_in_dim3A_12, %lt3A_344 : vector<16xi32>
      %add3A_346 = arith.constant 16 : i32
      %add3A_347 = vector.broadcast %add3A_346 : i32 to vector<16xi32>
      %add3A_348 = arith.addi %broadcast_in_dim3A_12, %add3A_347 : vector<16xi32>
      %select_n3A_349 = arith.select %lt3A_345, %add3A_348, %broadcast_in_dim3A_12 : vector<16xi1>, vector<16xi32>
      %broadcast_in_dim3A_350 = vector.shape_cast %select_n3A_349 : vector<16xi32> to vector<16x1xi32>
      %gather3A_351 = vector.shape_cast %broadcast_in_dim3A_350 : vector<16x1xi32> to vector<16xi32>
      %gather3A_352 = tpu.dynamic_gather %get3A_342[%gather3A_351] in [0] : vector<16xf32>, vector<16xi32> -> vector<16xf32>
      %while3A_353 = arith.constant 0 : i32
      %while3A_354 = arith.subi %shift_right_arithmetic3A_322, %while3A_353 : i32
      %while3A_355 = arith.addi %while3A_353, %while3A_354 : i32
      %while3A_356 = arith.constant 1 : i32
      %while3A_357 = arith.divsi %while3A_354, %while3A_356 : i32
      %while3A_358 = arith.muli %while3A_357, %while3A_356 : i32
      %while3A_359 = arith.addi %while3A_353, %while3A_358 : i32
      %while3A_360 = arith.constant 1 : i32
      %while3A_361:2 = scf.for %while3A_369 = %while3A_353 to %while3A_359 step %while3A_360 iter_args(%while3A_370 = %gather3A_336, %while3A_371 = %gather3A_352) -> (vector<16xf32>, vector<16xf32>)  : i32 {
        %mul3A_372 = arith.constant 2 : i32
        %mul3A_373 = arith.muli %mul3A_372, %while3A_369 : i32
        %add3A_374 = arith.addi %squeeze3A_40, %mul3A_373 : i32
        %add3A_375 = arith.constant 2 : i32
        %add3A_376 = arith.addi %add3A_374, %add3A_375 : i32
        %sub3A_377 = arith.subi %add3A_376, %squeeze3A_44 : i32
        %get3A_378 = arith.index_cast %sub3A_377 : i32 to index
        %get3A_379 = tpu.vector_load %arg9[%get3A_378] {strides = array<i32>} : memref<64xf32, #tpu.memory_space<vmem>>, vector<16xf32>,
        %get3A_380 = vector.shape_cast %get3A_379 : vector<16xf32> to vector<16xf32>
        %lt3A_381 = arith.constant 0 : i32
        %lt3A_382 = vector.broadcast %lt3A_381 : i32 to vector<16xi32>
        %lt3A_383 = arith.cmpi slt, %broadcast_in_dim3A_12, %lt3A_382 : vector<16xi32>
        %add3A_384 = arith.constant 16 : i32
        %add3A_385 = vector.broadcast %add3A_384 : i32 to vector<16xi32>
        %add3A_386 = arith.addi %broadcast_in_dim3A_12, %add3A_385 : vector<16xi32>
        %select_n3A_387 = arith.select %lt3A_383, %add3A_386, %broadcast_in_dim3A_12 : vector<16xi1>, vector<16xi32>
        %broadcast_in_dim3A_388 = vector.shape_cast %select_n3A_387 : vector<16xi32> to vector<16x1xi32>
        %gather3A_389 = vector.shape_cast %broadcast_in_dim3A_388 : vector<16x1xi32> to vector<16xi32>
        %gather3A_390 = tpu.dynamic_gather %get3A_380[%gather3A_389] in [0] : vector<16xf32>, vector<16xi32> -> vector<16xf32>
        %add3A_391 = arith.constant 3 : i32
        %add3A_392 = arith.addi %add3A_374, %add3A_391 : i32
        %sub3A_393 = arith.subi %add3A_392, %squeeze3A_44 : i32
        %get3A_394 = arith.index_cast %sub3A_393 : i32 to index
        %get3A_395 = tpu.vector_load %arg9[%get3A_394] {strides = array<i32>} : memref<64xf32, #tpu.memory_space<vmem>>, vector<16xf32>,
        %get3A_396 = vector.shape_cast %get3A_395 : vector<16xf32> to vector<16xf32>
        %lt3A_397 = arith.constant 0 : i32
        %lt3A_398 = vector.broadcast %lt3A_397 : i32 to vector<16xi32>
        %lt3A_399 = arith.cmpi slt, %broadcast_in_dim3A_12, %lt3A_398 : vector<16xi32>
        %add3A_400 = arith.constant 16 : i32
        %add3A_401 = vector.broadcast %add3A_400 : i32 to vector<16xi32>
        %add3A_402 = arith.addi %broadcast_in_dim3A_12, %add3A_401 : vector<16xi32>
        %select_n3A_403 = arith.select %lt3A_399, %add3A_402, %broadcast_in_dim3A_12 : vector<16xi1>, vector<16xi32>
        %broadcast_in_dim3A_404 = vector.shape_cast %select_n3A_403 : vector<16xi32> to vector<16x1xi32>
        %gather3A_405 = vector.shape_cast %broadcast_in_dim3A_404 : vector<16x1xi32> to vector<16xi32>
        %gather3A_406 = tpu.dynamic_gather %get3A_396[%gather3A_405] in [0] : vector<16xf32>, vector<16xi32> -> vector<16xf32>
        %mul3A_407 = arith.constant 96 : i32
        %mul3A_408 = arith.muli %add3A_374, %mul3A_407 : i32
        %add3A_409 = arith.addi %mul3A_408, %squeeze3A_46 : i32
        %add3A_410 = arith.constant 0 : i32
        %add3A_411 = arith.addi %add3A_410, %add3A_409 : i32
        %add3A_412 = arith.constant 0 : i32
        %add3A_413 = arith.addi %add3A_411, %add3A_412 : i32
        %mul3A_414 = arith.mulf %while3A_370, %mul3A_290 : vector<16xf32>
        %swap3A_415 = arith.index_cast %add3A_413 : i32 to index
        %swap3A_416 = tpu.vector_load %arg8[%swap3A_415] {strides = array<i32>} : memref<27648xf32, #tpu.memory_space<vmem>>, vector<16xf32>,
        %swap3A_417 = vector.shape_cast %swap3A_416 : vector<16xf32> to vector<16xf32>
        %swap3A_418 = vector.shape_cast %mul3A_414 : vector<16xf32> to vector<16xf32>
        tpu.vector_store %arg8[%swap3A_415], %swap3A_418 {add = true, strides = array<i32>} : memref<27648xf32, #tpu.memory_space<vmem>>, vector<16xf32>,
        %add3A_419 = arith.constant 16 : i32
        %add3A_420 = arith.addi %add3A_411, %add3A_419 : i32
        %mul3A_421 = arith.mulf %while3A_370, %mul3A_291 : vector<16xf32>
        %swap3A_422 = arith.index_cast %add3A_420 : i32 to index
        %swap3A_423 = tpu.vector_load %arg8[%swap3A_422] {strides = array<i32>} : memref<27648xf32, #tpu.memory_space<vmem>>, vector<16xf32>,
        %swap3A_424 = vector.shape_cast %swap3A_423 : vector<16xf32> to vector<16xf32>
        %swap3A_425 = vector.shape_cast %mul3A_421 : vector<16xf32> to vector<16xf32>
        tpu.vector_store %arg8[%swap3A_422], %swap3A_425 {add = true, strides = array<i32>} : memref<27648xf32, #tpu.memory_space<vmem>>, vector<16xf32>,
        %add3A_426 = arith.constant 9216 : i32
        %add3A_427 = arith.addi %add3A_426, %add3A_409 : i32
        %add3A_428 = arith.constant 0 : i32
        %add3A_429 = arith.addi %add3A_427, %add3A_428 : i32
        %mul3A_430 = arith.mulf %while3A_370, %mul3A_305 : vector<16xf32>
        %swap3A_431 = arith.index_cast %add3A_429 : i32 to index
        %swap3A_432 = tpu.vector_load %arg8[%swap3A_431] {strides = array<i32>} : memref<27648xf32, #tpu.memory_space<vmem>>, vector<16xf32>,
        %swap3A_433 = vector.shape_cast %swap3A_432 : vector<16xf32> to vector<16xf32>
        %swap3A_434 = vector.shape_cast %mul3A_430 : vector<16xf32> to vector<16xf32>
        tpu.vector_store %arg8[%swap3A_431], %swap3A_434 {add = true, strides = array<i32>} : memref<27648xf32, #tpu.memory_space<vmem>>, vector<16xf32>,
        %add3A_435 = arith.constant 16 : i32
        %add3A_436 = arith.addi %add3A_427, %add3A_435 : i32
        %mul3A_437 = arith.mulf %while3A_370, %mul3A_306 : vector<16xf32>
        %swap3A_438 = arith.index_cast %add3A_436 : i32 to index
        %swap3A_439 = tpu.vector_load %arg8[%swap3A_438] {strides = array<i32>} : memref<27648xf32, #tpu.memory_space<vmem>>, vector<16xf32>,
        %swap3A_440 = vector.shape_cast %swap3A_439 : vector<16xf32> to vector<16xf32>
        %swap3A_441 = vector.shape_cast %mul3A_437 : vector<16xf32> to vector<16xf32>
        tpu.vector_store %arg8[%swap3A_438], %swap3A_441 {add = true, strides = array<i32>} : memref<27648xf32, #tpu.memory_space<vmem>>, vector<16xf32>,
        %add3A_442 = arith.constant 18432 : i32
        %add3A_443 = arith.addi %add3A_442, %add3A_409 : i32
        %add3A_444 = arith.constant 0 : i32
        %add3A_445 = arith.addi %add3A_443, %add3A_444 : i32
        %mul3A_446 = arith.mulf %while3A_370, %mul3A_320 : vector<16xf32>
        %swap3A_447 = arith.index_cast %add3A_445 : i32 to index
        %swap3A_448 = tpu.vector_load %arg8[%swap3A_447] {strides = array<i32>} : memref<27648xf32, #tpu.memory_space<vmem>>, vector<16xf32>,
        %swap3A_449 = vector.shape_cast %swap3A_448 : vector<16xf32> to vector<16xf32>
        %swap3A_450 = vector.shape_cast %mul3A_446 : vector<16xf32> to vector<16xf32>
        tpu.vector_store %arg8[%swap3A_447], %swap3A_450 {add = true, strides = array<i32>} : memref<27648xf32, #tpu.memory_space<vmem>>, vector<16xf32>,
        %add3A_451 = arith.constant 16 : i32
        %add3A_452 = arith.addi %add3A_443, %add3A_451 : i32
        %mul3A_453 = arith.mulf %while3A_370, %mul3A_321 : vector<16xf32>
        %swap3A_454 = arith.index_cast %add3A_452 : i32 to index
        %swap3A_455 = tpu.vector_load %arg8[%swap3A_454] {strides = array<i32>} : memref<27648xf32, #tpu.memory_space<vmem>>, vector<16xf32>,
        %swap3A_456 = vector.shape_cast %swap3A_455 : vector<16xf32> to vector<16xf32>
        %swap3A_457 = vector.shape_cast %mul3A_453 : vector<16xf32> to vector<16xf32>
        tpu.vector_store %arg8[%swap3A_454], %swap3A_457 {add = true, strides = array<i32>} : memref<27648xf32, #tpu.memory_space<vmem>>, vector<16xf32>,
        %add3A_458 = arith.constant 1 : i32
        %add3A_459 = arith.addi %add3A_374, %add3A_458 : i32
        %mul3A_460 = arith.constant 96 : i32
        %mul3A_461 = arith.muli %add3A_459, %mul3A_460 : i32
        %add3A_462 = arith.addi %mul3A_461, %squeeze3A_46 : i32
        %add3A_463 = arith.constant 0 : i32
        %add3A_464 = arith.addi %add3A_463, %add3A_462 : i32
        %add3A_465 = arith.constant 0 : i32
        %add3A_466 = arith.addi %add3A_464, %add3A_465 : i32
        %mul3A_467 = arith.mulf %while3A_371, %mul3A_290 : vector<16xf32>
        %swap3A_468 = arith.index_cast %add3A_466 : i32 to index
        %swap3A_469 = tpu.vector_load %arg8[%swap3A_468] {strides = array<i32>} : memref<27648xf32, #tpu.memory_space<vmem>>, vector<16xf32>,
        %swap3A_470 = vector.shape_cast %swap3A_469 : vector<16xf32> to vector<16xf32>
        %swap3A_471 = vector.shape_cast %mul3A_467 : vector<16xf32> to vector<16xf32>
        tpu.vector_store %arg8[%swap3A_468], %swap3A_471 {add = true, strides = array<i32>} : memref<27648xf32, #tpu.memory_space<vmem>>, vector<16xf32>,
        %add3A_472 = arith.constant 16 : i32
        %add3A_473 = arith.addi %add3A_464, %add3A_472 : i32
        %mul3A_474 = arith.mulf %while3A_371, %mul3A_291 : vector<16xf32>
        %swap3A_475 = arith.index_cast %add3A_473 : i32 to index
        %swap3A_476 = tpu.vector_load %arg8[%swap3A_475] {strides = array<i32>} : memref<27648xf32, #tpu.memory_space<vmem>>, vector<16xf32>,
        %swap3A_477 = vector.shape_cast %swap3A_476 : vector<16xf32> to vector<16xf32>
        %swap3A_478 = vector.shape_cast %mul3A_474 : vector<16xf32> to vector<16xf32>
        tpu.vector_store %arg8[%swap3A_475], %swap3A_478 {add = true, strides = array<i32>} : memref<27648xf32, #tpu.memory_space<vmem>>, vector<16xf32>,
        %add3A_479 = arith.constant 9216 : i32
        %add3A_480 = arith.addi %add3A_479, %add3A_462 : i32
        %add3A_481 = arith.constant 0 : i32
        %add3A_482 = arith.addi %add3A_480, %add3A_481 : i32
        %mul3A_483 = arith.mulf %while3A_371, %mul3A_305 : vector<16xf32>
        %swap3A_484 = arith.index_cast %add3A_482 : i32 to index
        %swap3A_485 = tpu.vector_load %arg8[%swap3A_484] {strides = array<i32>} : memref<27648xf32, #tpu.memory_space<vmem>>, vector<16xf32>,
        %swap3A_486 = vector.shape_cast %swap3A_485 : vector<16xf32> to vector<16xf32>
        %swap3A_487 = vector.shape_cast %mul3A_483 : vector<16xf32> to vector<16xf32>
        tpu.vector_store %arg8[%swap3A_484], %swap3A_487 {add = true, strides = array<i32>} : memref<27648xf32, #tpu.memory_space<vmem>>, vector<16xf32>,
        %add3A_488 = arith.constant 16 : i32
        %add3A_489 = arith.addi %add3A_480, %add3A_488 : i32
        %mul3A_490 = arith.mulf %while3A_371, %mul3A_306 : vector<16xf32>
        %swap3A_491 = arith.index_cast %add3A_489 : i32 to index
        %swap3A_492 = tpu.vector_load %arg8[%swap3A_491] {strides = array<i32>} : memref<27648xf32, #tpu.memory_space<vmem>>, vector<16xf32>,
        %swap3A_493 = vector.shape_cast %swap3A_492 : vector<16xf32> to vector<16xf32>
        %swap3A_494 = vector.shape_cast %mul3A_490 : vector<16xf32> to vector<16xf32>
        tpu.vector_store %arg8[%swap3A_491], %swap3A_494 {add = true, strides = array<i32>} : memref<27648xf32, #tpu.memory_space<vmem>>, vector<16xf32>,
        %add3A_495 = arith.constant 18432 : i32
        %add3A_496 = arith.addi %add3A_495, %add3A_462 : i32
        %add3A_497 = arith.constant 0 : i32
        %add3A_498 = arith.addi %add3A_496, %add3A_497 : i32
        %mul3A_499 = arith.mulf %while3A_371, %mul3A_320 : vector<16xf32>
        %swap3A_500 = arith.index_cast %add3A_498 : i32 to index
        %swap3A_501 = tpu.vector_load %arg8[%swap3A_500] {strides = array<i32>} : memref<27648xf32, #tpu.memory_space<vmem>>, vector<16xf32>,
        %swap3A_502 = vector.shape_cast %swap3A_501 : vector<16xf32> to vector<16xf32>
        %swap3A_503 = vector.shape_cast %mul3A_499 : vector<16xf32> to vector<16xf32>
        tpu.vector_store %arg8[%swap3A_500], %swap3A_503 {add = true, strides = array<i32>} : memref<27648xf32, #tpu.memory_space<vmem>>, vector<16xf32>,
        %add3A_504 = arith.constant 16 : i32
        %add3A_505 = arith.addi %add3A_496, %add3A_504 : i32
        %mul3A_506 = arith.mulf %while3A_371, %mul3A_321 : vector<16xf32>
        %swap3A_507 = arith.index_cast %add3A_505 : i32 to index
        %swap3A_508 = tpu.vector_load %arg8[%swap3A_507] {strides = array<i32>} : memref<27648xf32, #tpu.memory_space<vmem>>, vector<16xf32>,
        %swap3A_509 = vector.shape_cast %swap3A_508 : vector<16xf32> to vector<16xf32>
        %swap3A_510 = vector.shape_cast %mul3A_506 : vector<16xf32> to vector<16xf32>
        tpu.vector_store %arg8[%swap3A_507], %swap3A_510 {add = true, strides = array<i32>} : memref<27648xf32, #tpu.memory_space<vmem>>, vector<16xf32>,
        scf.yield %gather3A_390, %gather3A_406 : vector<16xf32>, vector<16xf32>
      }
      %while3A_362 = arith.constant 1 : i32
      %while3A_363:2 = scf.for %while3A_369 = %while3A_359 to %while3A_355 step %while3A_362 iter_args(%while3A_370 = %while3A_361#0, %while3A_371 = %while3A_361#1) -> (vector<16xf32>, vector<16xf32>)  : i32 {
        %mul3A_372 = arith.constant 2 : i32
        %mul3A_373 = arith.muli %mul3A_372, %while3A_369 : i32
        %add3A_374 = arith.addi %squeeze3A_40, %mul3A_373 : i32
        %add3A_375 = arith.constant 2 : i32
        %add3A_376 = arith.addi %add3A_374, %add3A_375 : i32
        %sub3A_377 = arith.subi %add3A_376, %squeeze3A_44 : i32
        %get3A_378 = arith.index_cast %sub3A_377 : i32 to index
        %get3A_379 = tpu.vector_load %arg9[%get3A_378] {strides = array<i32>} : memref<64xf32, #tpu.memory_space<vmem>>, vector<16xf32>,
        %get3A_380 = vector.shape_cast %get3A_379 : vector<16xf32> to vector<16xf32>
        %lt3A_381 = arith.constant 0 : i32
        %lt3A_382 = vector.broadcast %lt3A_381 : i32 to vector<16xi32>
        %lt3A_383 = arith.cmpi slt, %broadcast_in_dim3A_12, %lt3A_382 : vector<16xi32>
        %add3A_384 = arith.constant 16 : i32
        %add3A_385 = vector.broadcast %add3A_384 : i32 to vector<16xi32>
        %add3A_386 = arith.addi %broadcast_in_dim3A_12, %add3A_385 : vector<16xi32>
        %select_n3A_387 = arith.select %lt3A_383, %add3A_386, %broadcast_in_dim3A_12 : vector<16xi1>, vector<16xi32>
        %broadcast_in_dim3A_388 = vector.shape_cast %select_n3A_387 : vector<16xi32> to vector<16x1xi32>
        %gather3A_389 = vector.shape_cast %broadcast_in_dim3A_388 : vector<16x1xi32> to vector<16xi32>
        %gather3A_390 = tpu.dynamic_gather %get3A_380[%gather3A_389] in [0] : vector<16xf32>, vector<16xi32> -> vector<16xf32>
        %add3A_391 = arith.constant 3 : i32
        %add3A_392 = arith.addi %add3A_374, %add3A_391 : i32
        %sub3A_393 = arith.subi %add3A_392, %squeeze3A_44 : i32
        %get3A_394 = arith.index_cast %sub3A_393 : i32 to index
        %get3A_395 = tpu.vector_load %arg9[%get3A_394] {strides = array<i32>} : memref<64xf32, #tpu.memory_space<vmem>>, vector<16xf32>,
        %get3A_396 = vector.shape_cast %get3A_395 : vector<16xf32> to vector<16xf32>
        %lt3A_397 = arith.constant 0 : i32
        %lt3A_398 = vector.broadcast %lt3A_397 : i32 to vector<16xi32>
        %lt3A_399 = arith.cmpi slt, %broadcast_in_dim3A_12, %lt3A_398 : vector<16xi32>
        %add3A_400 = arith.constant 16 : i32
        %add3A_401 = vector.broadcast %add3A_400 : i32 to vector<16xi32>
        %add3A_402 = arith.addi %broadcast_in_dim3A_12, %add3A_401 : vector<16xi32>
        %select_n3A_403 = arith.select %lt3A_399, %add3A_402, %broadcast_in_dim3A_12 : vector<16xi1>, vector<16xi32>
        %broadcast_in_dim3A_404 = vector.shape_cast %select_n3A_403 : vector<16xi32> to vector<16x1xi32>
        %gather3A_405 = vector.shape_cast %broadcast_in_dim3A_404 : vector<16x1xi32> to vector<16xi32>
        %gather3A_406 = tpu.dynamic_gather %get3A_396[%gather3A_405] in [0] : vector<16xf32>, vector<16xi32> -> vector<16xf32>
        %mul3A_407 = arith.constant 96 : i32
        %mul3A_408 = arith.muli %add3A_374, %mul3A_407 : i32
        %add3A_409 = arith.addi %mul3A_408, %squeeze3A_46 : i32
        %add3A_410 = arith.constant 0 : i32
        %add3A_411 = arith.addi %add3A_410, %add3A_409 : i32
        %add3A_412 = arith.constant 0 : i32
        %add3A_413 = arith.addi %add3A_411, %add3A_412 : i32
        %mul3A_414 = arith.mulf %while3A_370, %mul3A_290 : vector<16xf32>
        %swap3A_415 = arith.index_cast %add3A_413 : i32 to index
        %swap3A_416 = tpu.vector_load %arg8[%swap3A_415] {strides = array<i32>} : memref<27648xf32, #tpu.memory_space<vmem>>, vector<16xf32>,
        %swap3A_417 = vector.shape_cast %swap3A_416 : vector<16xf32> to vector<16xf32>
        %swap3A_418 = vector.shape_cast %mul3A_414 : vector<16xf32> to vector<16xf32>
        tpu.vector_store %arg8[%swap3A_415], %swap3A_418 {add = true, strides = array<i32>} : memref<27648xf32, #tpu.memory_space<vmem>>, vector<16xf32>,
        %add3A_419 = arith.constant 16 : i32
        %add3A_420 = arith.addi %add3A_411, %add3A_419 : i32
        %mul3A_421 = arith.mulf %while3A_370, %mul3A_291 : vector<16xf32>
        %swap3A_422 = arith.index_cast %add3A_420 : i32 to index
        %swap3A_423 = tpu.vector_load %arg8[%swap3A_422] {strides = array<i32>} : memref<27648xf32, #tpu.memory_space<vmem>>, vector<16xf32>,
        %swap3A_424 = vector.shape_cast %swap3A_423 : vector<16xf32> to vector<16xf32>
        %swap3A_425 = vector.shape_cast %mul3A_421 : vector<16xf32> to vector<16xf32>
        tpu.vector_store %arg8[%swap3A_422], %swap3A_425 {add = true, strides = array<i32>} : memref<27648xf32, #tpu.memory_space<vmem>>, vector<16xf32>,
        %add3A_426 = arith.constant 9216 : i32
        %add3A_427 = arith.addi %add3A_426, %add3A_409 : i32
        %add3A_428 = arith.constant 0 : i32
        %add3A_429 = arith.addi %add3A_427, %add3A_428 : i32
        %mul3A_430 = arith.mulf %while3A_370, %mul3A_305 : vector<16xf32>
        %swap3A_431 = arith.index_cast %add3A_429 : i32 to index
        %swap3A_432 = tpu.vector_load %arg8[%swap3A_431] {strides = array<i32>} : memref<27648xf32, #tpu.memory_space<vmem>>, vector<16xf32>,
        %swap3A_433 = vector.shape_cast %swap3A_432 : vector<16xf32> to vector<16xf32>
        %swap3A_434 = vector.shape_cast %mul3A_430 : vector<16xf32> to vector<16xf32>
        tpu.vector_store %arg8[%swap3A_431], %swap3A_434 {add = true, strides = array<i32>} : memref<27648xf32, #tpu.memory_space<vmem>>, vector<16xf32>,
        %add3A_435 = arith.constant 16 : i32
        %add3A_436 = arith.addi %add3A_427, %add3A_435 : i32
        %mul3A_437 = arith.mulf %while3A_370, %mul3A_306 : vector<16xf32>
        %swap3A_438 = arith.index_cast %add3A_436 : i32 to index
        %swap3A_439 = tpu.vector_load %arg8[%swap3A_438] {strides = array<i32>} : memref<27648xf32, #tpu.memory_space<vmem>>, vector<16xf32>,
        %swap3A_440 = vector.shape_cast %swap3A_439 : vector<16xf32> to vector<16xf32>
        %swap3A_441 = vector.shape_cast %mul3A_437 : vector<16xf32> to vector<16xf32>
        tpu.vector_store %arg8[%swap3A_438], %swap3A_441 {add = true, strides = array<i32>} : memref<27648xf32, #tpu.memory_space<vmem>>, vector<16xf32>,
        %add3A_442 = arith.constant 18432 : i32
        %add3A_443 = arith.addi %add3A_442, %add3A_409 : i32
        %add3A_444 = arith.constant 0 : i32
        %add3A_445 = arith.addi %add3A_443, %add3A_444 : i32
        %mul3A_446 = arith.mulf %while3A_370, %mul3A_320 : vector<16xf32>
        %swap3A_447 = arith.index_cast %add3A_445 : i32 to index
        %swap3A_448 = tpu.vector_load %arg8[%swap3A_447] {strides = array<i32>} : memref<27648xf32, #tpu.memory_space<vmem>>, vector<16xf32>,
        %swap3A_449 = vector.shape_cast %swap3A_448 : vector<16xf32> to vector<16xf32>
        %swap3A_450 = vector.shape_cast %mul3A_446 : vector<16xf32> to vector<16xf32>
        tpu.vector_store %arg8[%swap3A_447], %swap3A_450 {add = true, strides = array<i32>} : memref<27648xf32, #tpu.memory_space<vmem>>, vector<16xf32>,
        %add3A_451 = arith.constant 16 : i32
        %add3A_452 = arith.addi %add3A_443, %add3A_451 : i32
        %mul3A_453 = arith.mulf %while3A_370, %mul3A_321 : vector<16xf32>
        %swap3A_454 = arith.index_cast %add3A_452 : i32 to index
        %swap3A_455 = tpu.vector_load %arg8[%swap3A_454] {strides = array<i32>} : memref<27648xf32, #tpu.memory_space<vmem>>, vector<16xf32>,
        %swap3A_456 = vector.shape_cast %swap3A_455 : vector<16xf32> to vector<16xf32>
        %swap3A_457 = vector.shape_cast %mul3A_453 : vector<16xf32> to vector<16xf32>
        tpu.vector_store %arg8[%swap3A_454], %swap3A_457 {add = true, strides = array<i32>} : memref<27648xf32, #tpu.memory_space<vmem>>, vector<16xf32>,
        %add3A_458 = arith.constant 1 : i32
        %add3A_459 = arith.addi %add3A_374, %add3A_458 : i32
        %mul3A_460 = arith.constant 96 : i32
        %mul3A_461 = arith.muli %add3A_459, %mul3A_460 : i32
        %add3A_462 = arith.addi %mul3A_461, %squeeze3A_46 : i32
        %add3A_463 = arith.constant 0 : i32
        %add3A_464 = arith.addi %add3A_463, %add3A_462 : i32
        %add3A_465 = arith.constant 0 : i32
        %add3A_466 = arith.addi %add3A_464, %add3A_465 : i32
        %mul3A_467 = arith.mulf %while3A_371, %mul3A_290 : vector<16xf32>
        %swap3A_468 = arith.index_cast %add3A_466 : i32 to index
        %swap3A_469 = tpu.vector_load %arg8[%swap3A_468] {strides = array<i32>} : memref<27648xf32, #tpu.memory_space<vmem>>, vector<16xf32>,
        %swap3A_470 = vector.shape_cast %swap3A_469 : vector<16xf32> to vector<16xf32>
        %swap3A_471 = vector.shape_cast %mul3A_467 : vector<16xf32> to vector<16xf32>
        tpu.vector_store %arg8[%swap3A_468], %swap3A_471 {add = true, strides = array<i32>} : memref<27648xf32, #tpu.memory_space<vmem>>, vector<16xf32>,
        %add3A_472 = arith.constant 16 : i32
        %add3A_473 = arith.addi %add3A_464, %add3A_472 : i32
        %mul3A_474 = arith.mulf %while3A_371, %mul3A_291 : vector<16xf32>
        %swap3A_475 = arith.index_cast %add3A_473 : i32 to index
        %swap3A_476 = tpu.vector_load %arg8[%swap3A_475] {strides = array<i32>} : memref<27648xf32, #tpu.memory_space<vmem>>, vector<16xf32>,
        %swap3A_477 = vector.shape_cast %swap3A_476 : vector<16xf32> to vector<16xf32>
        %swap3A_478 = vector.shape_cast %mul3A_474 : vector<16xf32> to vector<16xf32>
        tpu.vector_store %arg8[%swap3A_475], %swap3A_478 {add = true, strides = array<i32>} : memref<27648xf32, #tpu.memory_space<vmem>>, vector<16xf32>,
        %add3A_479 = arith.constant 9216 : i32
        %add3A_480 = arith.addi %add3A_479, %add3A_462 : i32
        %add3A_481 = arith.constant 0 : i32
        %add3A_482 = arith.addi %add3A_480, %add3A_481 : i32
        %mul3A_483 = arith.mulf %while3A_371, %mul3A_305 : vector<16xf32>
        %swap3A_484 = arith.index_cast %add3A_482 : i32 to index
        %swap3A_485 = tpu.vector_load %arg8[%swap3A_484] {strides = array<i32>} : memref<27648xf32, #tpu.memory_space<vmem>>, vector<16xf32>,
        %swap3A_486 = vector.shape_cast %swap3A_485 : vector<16xf32> to vector<16xf32>
        %swap3A_487 = vector.shape_cast %mul3A_483 : vector<16xf32> to vector<16xf32>
        tpu.vector_store %arg8[%swap3A_484], %swap3A_487 {add = true, strides = array<i32>} : memref<27648xf32, #tpu.memory_space<vmem>>, vector<16xf32>,
        %add3A_488 = arith.constant 16 : i32
        %add3A_489 = arith.addi %add3A_480, %add3A_488 : i32
        %mul3A_490 = arith.mulf %while3A_371, %mul3A_306 : vector<16xf32>
        %swap3A_491 = arith.index_cast %add3A_489 : i32 to index
        %swap3A_492 = tpu.vector_load %arg8[%swap3A_491] {strides = array<i32>} : memref<27648xf32, #tpu.memory_space<vmem>>, vector<16xf32>,
        %swap3A_493 = vector.shape_cast %swap3A_492 : vector<16xf32> to vector<16xf32>
        %swap3A_494 = vector.shape_cast %mul3A_490 : vector<16xf32> to vector<16xf32>
        tpu.vector_store %arg8[%swap3A_491], %swap3A_494 {add = true, strides = array<i32>} : memref<27648xf32, #tpu.memory_space<vmem>>, vector<16xf32>,
        %add3A_495 = arith.constant 18432 : i32
        %add3A_496 = arith.addi %add3A_495, %add3A_462 : i32
        %add3A_497 = arith.constant 0 : i32
        %add3A_498 = arith.addi %add3A_496, %add3A_497 : i32
        %mul3A_499 = arith.mulf %while3A_371, %mul3A_320 : vector<16xf32>
        %swap3A_500 = arith.index_cast %add3A_498 : i32 to index
        %swap3A_501 = tpu.vector_load %arg8[%swap3A_500] {strides = array<i32>} : memref<27648xf32, #tpu.memory_space<vmem>>, vector<16xf32>,
        %swap3A_502 = vector.shape_cast %swap3A_501 : vector<16xf32> to vector<16xf32>
        %swap3A_503 = vector.shape_cast %mul3A_499 : vector<16xf32> to vector<16xf32>
        tpu.vector_store %arg8[%swap3A_500], %swap3A_503 {add = true, strides = array<i32>} : memref<27648xf32, #tpu.memory_space<vmem>>, vector<16xf32>,
        %add3A_504 = arith.constant 16 : i32
        %add3A_505 = arith.addi %add3A_496, %add3A_504 : i32
        %mul3A_506 = arith.mulf %while3A_371, %mul3A_321 : vector<16xf32>
        %swap3A_507 = arith.index_cast %add3A_505 : i32 to index
        %swap3A_508 = tpu.vector_load %arg8[%swap3A_507] {strides = array<i32>} : memref<27648xf32, #tpu.memory_space<vmem>>, vector<16xf32>,
        %swap3A_509 = vector.shape_cast %swap3A_508 : vector<16xf32> to vector<16xf32>
        %swap3A_510 = vector.shape_cast %mul3A_506 : vector<16xf32> to vector<16xf32>
        tpu.vector_store %arg8[%swap3A_507], %swap3A_510 {add = true, strides = array<i32>} : memref<27648xf32, #tpu.memory_space<vmem>>, vector<16xf32>,
        scf.yield %gather3A_390, %gather3A_406 : vector<16xf32>, vector<16xf32>
      }
      %and3A_364 = arith.constant 1 : i32
      %and3A_365 = arith.andi %sub3A_240, %and3A_364 : i32
      %ne3A = arith.constant 0 : i32
      %ne3A_366 = arith.cmpi ne, %and3A_365, %ne3A : i32
      %convert_element_type3A_367 = arith.extui %ne3A_366 : i1 to i32
      %cond3A = arith.constant 0 : i32
      %cond3A_368 = arith.cmpi ne, %convert_element_type3A_367, %cond3A : i32
      scf.if %cond3A_368 {
        %sub3A_369 = arith.constant 1 : i32
        %sub3A_370 = arith.subi %squeeze3A_42, %sub3A_369 : i32
        %sub3A_371 = arith.constant 1 : i32
        %sub3A_372 = arith.subi %squeeze3A_42, %sub3A_371 : i32
        %sub3A_373 = arith.subi %sub3A_372, %squeeze3A_44 : i32
        %get3A_374 = arith.index_cast %sub3A_373 : i32 to index
        %get3A_375 = tpu.vector_load %arg9[%get3A_374] {strides = array<i32>} : memref<64xf32, #tpu.memory_space<vmem>>, vector<16xf32>,
        %get3A_376 = vector.shape_cast %get3A_375 : vector<16xf32> to vector<16xf32>
        %lt3A_377 = arith.constant 0 : i32
        %lt3A_378 = vector.broadcast %lt3A_377 : i32 to vector<16xi32>
        %lt3A_379 = arith.cmpi slt, %broadcast_in_dim3A_12, %lt3A_378 : vector<16xi32>
        %add3A_380 = arith.constant 16 : i32
        %add3A_381 = vector.broadcast %add3A_380 : i32 to vector<16xi32>
        %add3A_382 = arith.addi %broadcast_in_dim3A_12, %add3A_381 : vector<16xi32>
        %select_n3A_383 = arith.select %lt3A_379, %add3A_382, %broadcast_in_dim3A_12 : vector<16xi1>, vector<16xi32>
        %broadcast_in_dim3A_384 = vector.shape_cast %select_n3A_383 : vector<16xi32> to vector<16x1xi32>
        %gather3A_385 = vector.shape_cast %broadcast_in_dim3A_384 : vector<16x1xi32> to vector<16xi32>
        %gather3A_386 = tpu.dynamic_gather %get3A_376[%gather3A_385] in [0] : vector<16xf32>, vector<16xi32> -> vector<16xf32>
        %mul3A_387 = arith.constant 96 : i32
        %mul3A_388 = arith.muli %sub3A_370, %mul3A_387 : i32
        %add3A_389 = arith.addi %mul3A_388, %squeeze3A_46 : i32
        %add3A_390 = arith.constant 0 : i32
        %add3A_391 = arith.addi %add3A_390, %add3A_389 : i32
        %add3A_392 = arith.constant 0 : i32
        %add3A_393 = arith.addi %add3A_391, %add3A_392 : i32
        %mul3A_394 = arith.mulf %gather3A_386, %mul3A_290 : vector<16xf32>
        %swap3A_395 = arith.index_cast %add3A_393 : i32 to index
        %swap3A_396 = tpu.vector_load %arg8[%swap3A_395] {strides = array<i32>} : memref<27648xf32, #tpu.memory_space<vmem>>, vector<16xf32>,
        %swap3A_397 = vector.shape_cast %swap3A_396 : vector<16xf32> to vector<16xf32>
        %swap3A_398 = vector.shape_cast %mul3A_394 : vector<16xf32> to vector<16xf32>
        tpu.vector_store %arg8[%swap3A_395], %swap3A_398 {add = true, strides = array<i32>} : memref<27648xf32, #tpu.memory_space<vmem>>, vector<16xf32>,
        %add3A_399 = arith.constant 16 : i32
        %add3A_400 = arith.addi %add3A_391, %add3A_399 : i32
        %mul3A_401 = arith.mulf %gather3A_386, %mul3A_291 : vector<16xf32>
        %swap3A_402 = arith.index_cast %add3A_400 : i32 to index
        %swap3A_403 = tpu.vector_load %arg8[%swap3A_402] {strides = array<i32>} : memref<27648xf32, #tpu.memory_space<vmem>>, vector<16xf32>,
        %swap3A_404 = vector.shape_cast %swap3A_403 : vector<16xf32> to vector<16xf32>
        %swap3A_405 = vector.shape_cast %mul3A_401 : vector<16xf32> to vector<16xf32>
        tpu.vector_store %arg8[%swap3A_402], %swap3A_405 {add = true, strides = array<i32>} : memref<27648xf32, #tpu.memory_space<vmem>>, vector<16xf32>,
        %add3A_406 = arith.constant 9216 : i32
        %add3A_407 = arith.addi %add3A_406, %add3A_389 : i32
        %add3A_408 = arith.constant 0 : i32
        %add3A_409 = arith.addi %add3A_407, %add3A_408 : i32
        %mul3A_410 = arith.mulf %gather3A_386, %mul3A_305 : vector<16xf32>
        %swap3A_411 = arith.index_cast %add3A_409 : i32 to index
        %swap3A_412 = tpu.vector_load %arg8[%swap3A_411] {strides = array<i32>} : memref<27648xf32, #tpu.memory_space<vmem>>, vector<16xf32>,
        %swap3A_413 = vector.shape_cast %swap3A_412 : vector<16xf32> to vector<16xf32>
        %swap3A_414 = vector.shape_cast %mul3A_410 : vector<16xf32> to vector<16xf32>
        tpu.vector_store %arg8[%swap3A_411], %swap3A_414 {add = true, strides = array<i32>} : memref<27648xf32, #tpu.memory_space<vmem>>, vector<16xf32>,
        %add3A_415 = arith.constant 16 : i32
        %add3A_416 = arith.addi %add3A_407, %add3A_415 : i32
        %mul3A_417 = arith.mulf %gather3A_386, %mul3A_306 : vector<16xf32>
        %swap3A_418 = arith.index_cast %add3A_416 : i32 to index
        %swap3A_419 = tpu.vector_load %arg8[%swap3A_418] {strides = array<i32>} : memref<27648xf32, #tpu.memory_space<vmem>>, vector<16xf32>,
        %swap3A_420 = vector.shape_cast %swap3A_419 : vector<16xf32> to vector<16xf32>
        %swap3A_421 = vector.shape_cast %mul3A_417 : vector<16xf32> to vector<16xf32>
        tpu.vector_store %arg8[%swap3A_418], %swap3A_421 {add = true, strides = array<i32>} : memref<27648xf32, #tpu.memory_space<vmem>>, vector<16xf32>,
        %add3A_422 = arith.constant 18432 : i32
        %add3A_423 = arith.addi %add3A_422, %add3A_389 : i32
        %add3A_424 = arith.constant 0 : i32
        %add3A_425 = arith.addi %add3A_423, %add3A_424 : i32
        %mul3A_426 = arith.mulf %gather3A_386, %mul3A_320 : vector<16xf32>
        %swap3A_427 = arith.index_cast %add3A_425 : i32 to index
        %swap3A_428 = tpu.vector_load %arg8[%swap3A_427] {strides = array<i32>} : memref<27648xf32, #tpu.memory_space<vmem>>, vector<16xf32>,
        %swap3A_429 = vector.shape_cast %swap3A_428 : vector<16xf32> to vector<16xf32>
        %swap3A_430 = vector.shape_cast %mul3A_426 : vector<16xf32> to vector<16xf32>
        tpu.vector_store %arg8[%swap3A_427], %swap3A_430 {add = true, strides = array<i32>} : memref<27648xf32, #tpu.memory_space<vmem>>, vector<16xf32>,
        %add3A_431 = arith.constant 16 : i32
        %add3A_432 = arith.addi %add3A_423, %add3A_431 : i32
        %mul3A_433 = arith.mulf %gather3A_386, %mul3A_321 : vector<16xf32>
        %swap3A_434 = arith.index_cast %add3A_432 : i32 to index
        %swap3A_435 = tpu.vector_load %arg8[%swap3A_434] {strides = array<i32>} : memref<27648xf32, #tpu.memory_space<vmem>>, vector<16xf32>,
        %swap3A_436 = vector.shape_cast %swap3A_435 : vector<16xf32> to vector<16xf32>
        %swap3A_437 = vector.shape_cast %mul3A_433 : vector<16xf32> to vector<16xf32>
        tpu.vector_store %arg8[%swap3A_434], %swap3A_437 {add = true, strides = array<i32>} : memref<27648xf32, #tpu.memory_space<vmem>>, vector<16xf32>,
      } else {
      }
    }
    %mul3A_24 = arith.constant 27648 : i32
    %mul3A_25 = arith.muli %add3A, %mul3A_24 : i32
    "tpu.region"() ({
      %run_scoped3A = tpu.sem_alloc : memref<!tpu.dma_semaphore, #tpu.memory_space<semaphore_mem>>
      %dma_start3A = tpu.memref_slice %arg5[%mul3A_25] : memref<884736xf32, #tpu.memory_space<hbm>> -> memref<27648xf32, #tpu.memory_space<hbm>>
      %dma_start3A_26 = tpu.memref_slice %arg5[%mul3A_25] : memref<884736xf32, #tpu.memory_space<hbm>> -> memref<27648xf32, #tpu.memory_space<hbm>>
      tpu.enqueue_dma source(%arg8 : memref<27648xf32, #tpu.memory_space<vmem>>) target(%dma_start3A_26 : memref<27648xf32, #tpu.memory_space<hbm>>) target_semaphore(%run_scoped3A : memref<!tpu.dma_semaphore, #tpu.memory_space<semaphore_mem>>)
      %dma_wait3A = tpu.memref_slice %arg5[%mul3A_25] : memref<884736xf32, #tpu.memory_space<hbm>> -> memref<27648xf32, #tpu.memory_space<hbm>>
      %dma_wait3A_27 = tpu.memref_slice %arg5[%mul3A_25] : memref<884736xf32, #tpu.memory_space<hbm>> -> memref<27648xf32, #tpu.memory_space<hbm>>
      tpu.wait_dma2 semaphore(%run_scoped3A : memref<!tpu.dma_semaphore, #tpu.memory_space<semaphore_mem>>) src(%arg8 : memref<27648xf32, #tpu.memory_space<vmem>>) dst(%dma_wait3A_27 : memref<27648xf32, #tpu.memory_space<hbm>>)
      tpu.yield
    }) : () -> ()
    return
  }
}

</mosaic_0001>

<sc_bundles>
// kernel: kernel.3.cloned.1.call-start
scs
__scs_entry_jumppad:
0x0: {  	(pc) =	sbr.rel $0x88, $3  }
0x1: {  	(tag) =	ssettag $0x0;
	lr =	simm.s32 $0x1  }
0x2: {  	[smem:$0x3F9E] =	sst lr;
	_ =	strace $0xD0000000  }
0x3: {  	_ = 	snop  }
0x4: {  	_ = 	snop  }
0x5: {  	_ = 	snop  }
0x6: {  	_ = 	snop  }
0x7: {  	_ = 	snop  }
__scs_overlays_trampoline_lowered:
0x8: {  	[smem:$0x3FAD] =	sst s0  }
0x9: {  	[smem:$0x3FAE] =	sst s1  }
0xa: {  	[smem:$0x3FAF] =	sst s2  }
0xb: {  	[smem:$0x3FB0] =	sst s3  }
0xc: {  	[smem:$0x3FB1] =	sst s4  }
0xd: {  	[smem:$0x3FB2] =	sst s5  }
0xe: {  	[smem:$0x3FB3] =	sst s6  }
0xf: {  	[smem:$0x3FB4] =	sst s7  }
0x10: {  	[smem:$0x3FB5] =	sst s8  }
0x11: {  	[smem:$0x3FB6] =	sst s9;
	s0 =	simm.s32 @!p0 $0x0  }
0x12: {  	s1 =	sld [smem:$0x3F9C];
	s0 =	simm.s32 @p0 $0x1  }
0x13: {  	[smem:$0x3FB7] =	sst s0;
	s0 =	simm.s32 @!p1 $0x0  }
0x14: {  	s2 =	sld [smem:$0x3F9B];
	s0 =	simm.s32 @p1 $0x1  }
0x15: {  	[smem:$0x3FB8] =	sst s0;
	s0 =	simm.s32 @!p2 $0x0  }
0x16: {  	s3 =	sld [smem:$0x3FDB];
	s0 =	simm.s32 @p2 $0x1  }
0x17: {  	s4 =	simm.s32 $0x1BF5;
	[smem:$0x3FBA] =	sst s0  }
0x18: {  	s0 =	sld [smem:$0x3F9D];
	_ =	swait.ge [sflag:s4], $0x0  }
0x19: {  	s7 =	sld [smem:$0x3F9E]  }
0x1a: {  	s8 =	sadd.s32 $0xFFFFE003, lr  }
0x1b: {  	s9 =	sadd.s32 $0xFFFFFEF7, lr;
	s5 =	simm.s32 $0xFFFFFFFF;
	p2 =	slt.u32 s8, $0xFFFFF086  }
0x1c: {  	p1 =	slt.u32 s9, $0xF7A;
	s5 =	simm.s32 @!p2 $0x0  }
0x1d: {  	s5 =	simm.s32 @p1 $0x1;
	p0 =	seq.s32 s7, s2  }
0x1e: {  	s7 =	smul.u32 @!p0 $0xF7A, s2;
	p2 =	seq.s32 @!p0 s5, $0x0  }
0x1f: {  	s9 =	smul.u32 $0xF7A, s1;
	s8 =	simm.s32 @!p0 $0x1BF5;
	p2 =	por !p2, p0  }
0x20: {  	[sflag:s8] =	ssyncset.s32 @!p0 $0xFFFFF086;
	s6 =	sadd.s32 @!p0 s3, s7;
	s7 =	simm.s32 @!p0 $0x108  }
0x21: {  	s3 =	sadd.s32 s3, s9;
	s6 =	sadd.s32 @!p0 $0x88, s6;
	s7 =	simm.s32 @p2 $0x1082  }
0x22: {  	[simem:s7], [sflag:s8] =	dma.local @!p0 [hbm:s6], $0xF7A  }
0x23: {  	s9 =	sor.u32 $0xD0000000, s2;
	s6 =	simm.s32 $0x108;
	_ =	swait.ge @!p0 [sflag:s8], $0x0  }
0x24: {  	s3 =	sadd.s32 $0x88, s3;
	s6 =	simm.s32 @!p1 $0x1082;
	[sflag:s4] =	ssyncset.s32 $0xFFFFF086  }
0x25: {  	[simem:s6], [sflag:s4] =	dma.local [hbm:s3], $0xF7A  }
0x26: {  	[smem:$0x3F9E] =	sst s1;
	(tag) =	ssettag s2;
	_ =	strace s9  }
0x27: {  	s1 =	sld [smem:$0x3FAE]  }
0x28: {  	s2 =	sld [smem:$0x3FAF]  }
0x29: {  	s4 =	sld [smem:$0x3FB1]  }
0x2a: {  	p0 =	seq.s32 s5, $0x0;
	s5 =	sld [smem:$0x3FB2]  }
0x2b: {  	s6 =	sld [smem:$0x3FB3]  }
0x2c: {  	s7 =	sld [smem:$0x3FB4]  }
0x2d: {  	s3 =	simm.s32 $0x108;
	s8 =	sld [smem:$0x3FB5]  }
0x2e: {  	s3 =	simm.s32 @!p0 $0x1082;
	s9 =	sld [smem:$0x3FB6]  }
0x2f: {  	lr =	sadd.s32 s0, s3;
	s0 =	sld [smem:$0x3FAD]  }
0x30: {  	s3 =	sld [smem:$0x3FB0]  }
0x31: {  	[smem:$0x3FB9] =	sst s10  }
0x32: {  	s10 =	sld [smem:$0x3FB7];
	_ =	sdelay $0x3  }
0x33: {  	p0 =	seq.s32 s10, $0x1;
	s10 =	sld [smem:$0x3FB9];
	_ =	sdelay $0x3  }
0x34: {  	[smem:$0x3FB9] =	sst s10  }
0x35: {  	s10 =	sld [smem:$0x3FB8];
	_ =	sdelay $0x3  }
0x36: {  	p1 =	seq.s32 s10, $0x1;
	s10 =	sld [smem:$0x3FB9];
	_ =	sdelay $0x3  }
0x37: {  	[smem:$0x3FB9] =	sst s10  }
0x38: {  	s10 =	sld [smem:$0x3FBA]  }
0x39: {  	_ = 	snop;
	(pc) =	sbr.ind lr, $3  }
0x3a: {  	_ = 	snop  }
0x3b: {  	_ = 	snop  }
0x3c: {  	p2 =	seq.s32 s10, $0x1;
	s10 =	sld [smem:$0x3FB9]  }
0x3d: {  	_ =	shalt  }
0x3e: {  	_ =	shalt  }
0x3f: {  	_ =	shalt  }
0x40: {  	_ =	shalt  }
0x41: {  	_ =	shalt  }
0x42: {  	_ =	shalt  }
0x43: {  	_ =	shalt  }
0x44: {  	_ =	shalt  }
0x45: {  	_ =	shalt  }
0x46: {  	_ =	shalt  }
0x47: {  	_ =	shalt  }
0x48: {  	_ =	shalt  }
0x49: {  	_ =	shalt  }
0x4a: {  	_ =	shalt  }
0x4b: {  	_ =	shalt  }
0x4c: {  	_ =	shalt  }
0x4d: {  	_ =	shalt  }
0x4e: {  	_ =	shalt  }
0x4f: {  	_ =	shalt  }
0x50: {  	_ =	shalt  }
0x51: {  	_ =	shalt  }
0x52: {  	_ =	shalt  }
0x53: {  	_ =	shalt  }
0x54: {  	_ =	shalt  }
0x55: {  	_ =	shalt  }
0x56: {  	_ =	shalt  }
0x57: {  	_ =	shalt  }
0x58: {  	_ =	shalt  }
0x59: {  	_ =	shalt  }
0x5a: {  	_ =	shalt  }
0x5b: {  	_ =	shalt  }
0x5c: {  	_ =	shalt  }
0x5d: {  	_ =	shalt  }
0x5e: {  	_ =	shalt  }
0x5f: {  	_ =	shalt  }
0x60: {  	_ =	shalt  }
0x61: {  	_ =	shalt  }
0x62: {  	_ =	shalt  }
0x63: {  	_ =	shalt  }
0x64: {  	_ =	shalt  }
0x65: {  	_ =	shalt  }
0x66: {  	_ =	shalt  }
0x67: {  	_ =	shalt  }
0x68: {  	_ =	shalt  }
0x69: {  	_ =	shalt  }
0x6a: {  	_ =	shalt  }
0x6b: {  	_ =	shalt  }
0x6c: {  	_ =	shalt  }
0x6d: {  	_ =	shalt  }
0x6e: {  	_ =	shalt  }
0x6f: {  	_ =	shalt  }
0x70: {  	_ =	shalt  }
0x71: {  	_ =	shalt  }
0x72: {  	_ =	shalt  }
0x73: {  	_ =	shalt  }
0x74: {  	_ =	shalt  }
0x75: {  	_ =	shalt  }
0x76: {  	_ =	shalt  }
0x77: {  	_ =	shalt  }
0x78: {  	_ =	shalt  }
0x79: {  	_ =	shalt  }
0x7a: {  	_ =	shalt  }
0x7b: {  	_ =	shalt  }
0x7c: {  	_ =	shalt  }
0x7d: {  	_ =	shalt  }
0x7e: {  	_ =	shalt  }
0x7f: {  	_ =	shalt  }
0x80: {  	_ =	shalt  }
0x81: {  	_ =	shalt  }
0x82: {  	_ =	shalt  }
0x83: {  	_ =	shalt  }
0x84: {  	_ =	shalt  }
0x85: {  	_ =	shalt  }
0x86: {  	_ =	shalt  }
0x87: {  	_ =	shalt  }
.Lfunc_end0:
.L_simem_size_0:
called_computation_lowered:
.L_overlay_start_0:
0x88: {  	s2 =	sld [smem:$0x3FD9]  }
0x89: {  	s3 =	sld [smem:$0x3FFE];
	_ =	sdelay $0x1  }
0x8a: {  	s1 =	srdreg.scid  }
0x8b: {  	s0 =	sand.u32 $0x1, s1  }
0x8c: {  	s17 =	sshll.u32 s0, $0xA;
	s2 =	sadd.s32 s3, s2  }
0x8d: {  	s2 =	sadd.s32 s2, s17  }
0x8e: {  	[smem:$0x3FC5] =	sst s2  }
0x8f: {  	_ = 	snop  }
0x90: {  	s2 =	sld [smem:$0x3FD0];
	(tm) =	ssettm $0x1  }
0x91: {  	s18 =	sld [smem:$0x3FFB];
	_ =	sdelay $0x3  }
0x92: {  	_ =	strace s18  }
0x93: {  	s3 =	sld [smem:$0x3FFC];
	_ =	sdelay $0x3  }
0x94: {  	_ =	strace s3  }
0x95: {  	s3 =	sld [smem:$0x3FFD];
	_ =	sdelay $0x3  }
0x96: {  	_ =	strace s3  }
0x97: {  	_ =	strace $0x8FFFFFFF  }
0x98: {  	s19 =	sld [smem:$0x3FDB];
	_ =	sdelay $0x1  }
0x99: {  	s4 =	simm.s32 $_scs_section_size  }
0x9a: {  	s5 =	simm.s32 $_size__tile_overlayer_lowered;
	s6 =	simm.s32 $_tile_overlayer_lowered  }
0x9b: {  	s22 =	simm.s32 $0x1BFF;
	s21 =	sshll.u32 s6, $0x1;
	s3 =	sadd.s32 s4, s19  }
0x9c: {  	s7 =	simm.s32 $0x0;
	s20 =	sshll.u32 s5, $0x1;
	s5 =	sadd.s32 s21, s3  }
0x9d: {  	[timem:s7], [sflag:s22] =	dma.local [hbm:s5], s20  }
0x9e: {  	_ =	swait.ge [sflag:s22], s20  }
0x9f: {  	s4 =	ssub.s32 $0x0, s20;
	[sflag:s22] =	ssyncset.done $0x0  }
0xa0: {  	[sflag:s22] =	ssyncadd.s32 s4;
	_ =	sdelay $0x1  }
0xa1: {  	s23 =	simm.s32 $0x1B8B  }
0xa2: {  	_ =	swait.ge [sflag:s23], $0x1  }
0xa3: {  	[sflag:s23] =	ssyncset.done $0x0  }
0xa4: {  	s25 =	simm.s32 $0x1B8E;
	s24 =	sld [smem:$0x3FFE];
	[sflag:s23] =	ssyncadd.s32 $0xFFFFFFFF  }
0xa5: {  	s26 =	simm.s32 $execute0_lowered;
	[smem:$0x3FD2] =	sst s25  }
0xa6: {  	s5 =	sshll.u32 s26, $0x1;
	_ =	strace $0x80000046;
	[dreg:$0x1] =	wrdreg $0xFFFFFFFF  }
0xa7: {  	s28 =	simm.s32 $_size_execute0_lowered;
	s3 =	sadd.s32 s3, s5;
	[dreg:$0x0] =	wrdreg $0x0  }
0xa8: {  	s5 =	sshll.u32 s28, $0x1;
	[dreg:$0x2] =	wrdreg s3  }
0xa9: {  	[dreg:$0x3] =	wrdreg s5  }
0xaa: {  	[dreg:$0x4] =	wrdreg $0xC0  }
0xab: {  	_ =	task [dreg:s7], $0x5FFFF  }
0xac: {  	[dreg:$0x1] =	wrdreg $0xFFFFFFFF  }
0xad: {  	[dreg:$0x0] =	wrdreg $0x60  }
0xae: {  	[dreg:$0x2] =	wrdreg s24  }
0xaf: {  	[dreg:$0x3] =	wrdreg s2  }
0xb0: {  	[dreg:$0x4] =	wrdreg $0x9  }
0xb1: {  	_ =	task.clear_ibuf [dreg:s7], $0x5FFFF;
	_ =	strace $0x90000046  }
0xb2: {  	s29 =	simm.s32 $0x9;
	_ =	strace $0x80000048  }
0xb3: {  	_ =	swait.ge [sflag:s29], $0x1  }
0xb4: {  	[sflag:s29] =	ssyncadd.s32 $0xFFFFFFFF  }
0xb5: {  	_ =	strace $0x90000048  }
0xb6: {  	_ =	sfence  }
0xb7: {  	s30 =	sld [smem:$0x0];
	_ =	sdelay $0x2  }
0xb8: {  	s31 =	sshll.u32 s1, $0xD;
	s1 =	sshrl.u32 s1, $0x2  }
0xb9: {  	s3 =	sand.u32 $0x4000, s31;
	s1 =	sadd.s32 s1, s30  }
0xba: {  	s0 =	sor.u32 s3, s0;
	s1 =	sshll.u32 s1, $0x11  }
0xbb: {  	s0 =	sor.u32 s1, s0  }
0xbc: {  	s0 =	sadd.s32 $0x8F2B, s0  }
0xbd: {  	[sflag:s0] =	ssyncadd.remote.s32 $0x1  }
0xbe: {  	_ =	sfence.sel $0xFFFF  }
0xbf: {  	[dreg:$0x0] =	wrdreg $0xFFFFFFFF;
	(pc) =	sbr.abs _section_cstart, $3  }
0xc0: {  	[dreg:$0x1] =	wrdreg $0xFFFFFFFF  }
0xc1: {  	_ =	task.clear_ibuf [dreg:s7], $0x2FFFF;
	_ =	strace $0x9FFFFFFF  }
0xc2: {  	(tm) =	ssettm $0x7FFFFFFF  }
0xc3: {  	_ =	shalt  }
tec
execute0_lowered:
.L_overlay_start_1:
0x0: {  	(tag) =	ssettag $0x1  }
0x1: {  	s1 =	srdreg.scid;
	s0 =	stileid.u32  }
0x2: {  	s2 =	rddreg [dreg:$0x0];
	s4 =	sand.u32 $0x1, s1;
	s30 =	sshll.u32 s0, $0x1  }
0x3: {  	s6 =	rddreg [dreg:$0x1];
	s5 =	sor.u32 s4, s30  }
0x4: {  	s3 =	simm.s32 $0x0;
	s10 =	simm.s32 $0xEC80;
	s7 =	smul.u32 $0x3, s5  }
0x5: {  	s11 =	simm.s32 $0x8000;
	s1 =	rddreg [dreg:$0x2];
	s8 =	smul.u32 $0xD80, s5  }
.Ltmp0:
0x6: {  	v0 =	vlaneseq.u32;
	s12 =	simm.s32 $0x0;
	[smem:$0x7FF] =	sst s3;
	(pc) =	sbr.rel .LBB2_1-.Ltmp0, $4  }
0x7: {  	_ =	strace $0x80000047;
	s31 =	ssub.s32 $0x2, s4;
	s5 =	smul.u32 $0x84, s5;
	v1 =	vadd.s32 s7, v0  }
0x8: {  	v3 =	vimm.f32 $0.0e+00;
	v4 =	vimm.s32 $0x0;
	s4 =	sadd.s32 $0x800, s2;
	s9 =	sshrl.u32 s31, $0x1;
	s8 =	sadd.s32 s8, s2;
	v2 =	vcvt.s32.f32 v1  }
0x9: {  	v5 =	vimm.s32 $0x1;
	v6 =	vimm.s32 $0x2;
	v7 =	vimm.s32 $0x3;
	s7 =	ssub.s32 s31, s9;
	s5 =	sadd.s32 s6, s5;
	s9 =	simm.s32 $0x4000  }
0xa: {  	v8 =	vimm.s32 $0x4;
	v9 =	vimm.s32 $0x5;
	s6 =	sadd.s32 $0x1000, s8;
	s7 =	smax.u32 s7, $0x1;
	s8 =	simm.s32 $0x1;
	v2 =	vmul.f32 $1.052631620e-02, v2  }
.LBB2_12:
0xb: {  	s12 =	sadd.s32 $0x1, s12  }
0xc: {  	p0 =	sne.s32 s12, s7  }
.Ltmp1:
0xd: {  	_ = 	snop;
	(pc) =	sbr.rel @!p0 .LBB2_13-.Ltmp1, $4  }
0xe: {  	[hbm4b:s6+s3] =	stream.linear.scatter [tilespmem:s11], [sflag:$0x1], $0x6C00, $0x38;
	[tilespmem:$0xF100] =	vst v63  }
0xf: {  	_ =	swait.ge [sflag:s8], $0x6C00  }
0x10: {  	[sflag:s8] =	ssyncset.done $0x0  }
0x11: {  	[sflag:s8] =	ssyncadd.s32 $0xFFFF9400  }
.LBB2_1:
0x12: {  	[tilespmem:s3], [sflag:$0x1] =	stream.linear.gather [hbm4b:s2+s3], $0x4000, $0x38;
	[tilespmem:$0xF100] =	vst v63  }
0x13: {  	_ =	swait.ge [sflag:s8], $0x4000  }
0x14: {  	[sflag:s8] =	ssyncset.done $0x0  }
0x15: {  	[sflag:s8] =	ssyncadd.s32 $0xFFFFC000  }
0x16: {  	[tilespmem:s9], [sflag:$0x1] =	stream.linear.gather [hbm4b:s4+s3], $0x4000, $0x38;
	[tilespmem:$0xF100] =	vst v63  }
0x17: {  	_ =	swait.ge [sflag:s8], $0x4000  }
0x18: {  	[sflag:s8] =	ssyncset.done $0x0  }
0x19: {  	[sflag:s8] =	ssyncadd.s32 $0xFFFFC000  }
0x1a: {  	[tilespmem:s10], [sflag:$0x1] =	stream.linear.gather [hbm4b:s5+s3], $0x420, $0x38;
	[tilespmem:$0xF100] =	vst v63  }
0x1b: {  	_ =	swait.ge [sflag:s8], $0x420  }
0x1c: {  	[sflag:s8] =	ssyncset.done $0x0  }
0x1d: {  	s13 =	simm.s32 $0x40;
	s14 =	simm.s32 $0x0;
	[sflag:s8] =	ssyncadd.s32 $0xFFFFFBE0  }
.LBB2_2:
0x1e: {  	p0 =	sne.s32 s13, $0x1AFC0;
	[tilespmem:s14+$0x8000] =	vst v3;
	s14 =	smov.u32 s13;
	s13 =	sadd.s32 $0x40, s13  }
.Ltmp2:
0x1f: {  	(pc) =	sbr.rel @p0 .LBB2_2-.Ltmp2, $2  }
0x20: {  	_ =	sdelay $0x2  }
0x21: {  	s14 =	sshra.s32 s14, $0x2  }
0x22: {  	[tilespmem:s14+$0x8000] =	vst v3  }
0x23: {  	v10 =	vld [tilespmem:$0xEC80];
	_ =	sdelay $0x4  }
0x24: {  	(v2sf) =	vpush v10, $0x0;
	_ =	sdelay $0xe  }
0x25: {  	s13 =	spop (v2sf)  }
0x26: {  	p0 =	slt.s32 s13, $0x1  }
.Ltmp3:
0x27: {  	_ = 	snop;
	(pc) =	sbr.rel @!p0 .LBB2_4-.Ltmp3, $4  }
.Ltmp4:
0x28: {  	_ = 	snop;
	(pc) =	sbr.rel @p0 .LBB2_12-.Ltmp4, $4  }
0x29: {  	_ = 	snop  }
0x2a: {  	_ = 	snop  }
0x2b: {  	s14 =	simm.s32 $0x0  }
0x2c: {  	_ = 	snop  }
.LBB2_6:
0x2d: {  	s21 =	smov.u32 s20  }
.LBB2_10:
0x2e: {  	[tilespmem:s19+$0xFFFFB790] =	vst.add.f32.msk $0xffff, v22;
	v20 =	vmul.f32 v16, v14;
	s21 =	sadd.s32 @p0 $0xC0, s21  }
0x2f: {  	[tilespmem:s19+$0xFFFFB7A0] =	vst.add.f32.msk $0xffff, v21;
	v60 =	vmul.f32 v16, v12;
	s20 =	smov.u32 @p0 s21  }
0x30: {  	v61 =	vmul.f32 v16, v15;
	[tilespmem:s20+$0xA3A0] =	vst.add.f32.msk $0xffff, v20  }
0x31: {  	v16 =	vmul.f32 v16, v13;
	[tilespmem:s19+$0xFFFFDBA0] =	vst.add.f32.msk $0xffff, v60  }
0x32: {  	v62 =	vmul.f32 v17, v10;
	[tilespmem:s20+$0xC7A0] =	vst.add.f32.msk $0xffff, v61  }
0x33: {  	[tilespmem:s19+$0xFFFFFFA0] =	vst.add.f32.msk $0xffff, v16;
	v16 =	vmul.f32 v17, v11  }
0x34: {  	v63 =	vmul.f32 v17, v14;
	[tilespmem:s19+$0xFFFFB7F0] =	vst.add.f32.msk $0xffff, v62  }
0x35: {  	[tilespmem:s19+$0xFFFFB800] =	vst.add.f32.msk $0xffff, v16  }
0x36: {  	[tilespmem:s20+$0xA400] =	vst.add.f32.msk $0xffff, v63  }
0x37: {  	v16 =	vmul.f32 v17, v13;
	[tilespmem:s19+$0xFFFFDC00] =	vst.add.f32.msk $0xffff, v19  }
0x38: {  	[tilespmem:s20+$0xC800] =	vst.add.f32.msk $0xffff, v18  }
0x39: {  	[tilespmem:s19+$0x0] =	vst.add.f32.msk $0xffff, v16  }
.LBB2_11:
0x3a: {  	s18 =	sand.u32 $0x1, s18  }
0x3b: {  	p0 =	seq.s32 s18, $0x0  }
0x3c: {  	s15 =	sadd.s32 @!p0 $0xFFFFFFFF, s15  }
0x3d: {  	s16 =	ssub.s32 @!p0 s15, s16  }
0x3e: {  	v16 =	vld @!p0 [tilespmem:s16+$0xEC00];
	_ =	sdelay $0x3  }
0x3f: {  	v17 =	vimm.s32 @!p0 $0x0  }
0x40: {  	v16 =	vperm.xlane @!p0 v16, v17  }
0x41: {  	s15 =	smul.u32 @!p0 $0x60, s15  }
0x42: {  	v10 =	vmul.f32 @!p0 v16, v10  }
0x43: {  	s14 =	sadd.s32 $0x1, s14;
	s15 =	sadd.s32 @!p0 s17, s15;
	v11 =	vmul.f32 @!p0 v16, v11  }
0x44: {  	p1 =	sne.s32 s14, s13;
	[tilespmem:s15+$0x8000] =	vst.add.f32.msk @!p0 $0xffff, v10;
	v10 =	vmul.f32 @!p0 v16, v14  }
.Ltmp5:
0x45: {  	[tilespmem:s15+$0x8010] =	vst.add.f32.msk @!p0 $0xffff, v11;
	v11 =	vmul.f32 @!p0 v16, v12;
	(pc) =	sbr.rel @!p1 .LBB2_12-.Ltmp5, $4  }
0x46: {  	[tilespmem:s15+$0xA400] =	vst.add.f32.msk @!p0 $0xffff, v10;
	v10 =	vmul.f32 @!p0 v16, v15  }
0x47: {  	[tilespmem:s15+$0xA410] =	vst.add.f32.msk @!p0 $0xffff, v11;
	v11 =	vmul.f32 @!p0 v16, v13  }
0x48: {  	[tilespmem:s15+$0xC800] =	vst.add.f32.msk @!p0 $0xffff, v10  }
0x49: {  	[tilespmem:s15+$0xC810] =	vst.add.f32.msk @!p0 $0xffff, v11  }
.LBB2_4:
0x4a: {  	v10 =	vld [tilespmem:s14+$0xEC90];
	_ =	sdelay $0x4  }
0x4b: {  	(v2sf) =	vpush v10, $0x0;
	_ =	sdelay $0xe  }
0x4c: {  	s15 =	spop (v2sf)  }
0x4d: {  	s15 =	sshll.u32 s15, $0x4  }
0x4e: {  	v10 =	vld [tilespmem:s15+$0x4000];
	_ =	sdelay $0x4  }
0x4f: {  	(v2sf) =	vpush v10, $0x2  }
0x50: {  	(v2sf) =	vpush v10, $0x3  }
0x51: {  	(v2sf) =	vpush v10, $0x6;
	_ =	sdelay $0x1  }
0x52: {  	(v2sf) =	vpush v10, $0x7;
	_ =	sdelay $0x5  }
0x53: {  	v11 =	vld [tilespmem:s15+$0x0];
	_ =	sdelay $0x4  }
0x54: {  	v12 =	vperm.xlane v11, v4;
	s19 =	spop (v2sf)  }
0x55: {  	v13 =	vbroadcast v10, $0x6;
	v15 =	vbroadcast v10, $0x7;
	s15 =	spop (v2sf)  }
0x56: {  	v14 =	vperm.xlane v11, v7;
	v12 =	vsub.f32 v2, v12;
	s16 =	spop (v2sf)  }
0x57: {  	v16 =	vperm.xlane v11, v5;
	v13 =	vadd.s32 v0, v13;
	v15 =	vadd.s32 v0, v15;
	s18 =	sadd.s32 $0x10, s16  }
0x58: {  	v17 =	vcvt.s32.f32 v13;
	v12 =	vmul.f32 v12, v12;
	s17 =	spop (v2sf);
	v18 =	vadd.s32 s18, v0  }
0x59: {  	v20 =	vcvt.s32.f32 v15;
	s31 =	sadd.s32 $0x10, s17;
	v19 =	vcvt.s32.f32 v18  }
0x5a: {  	v17 =	vmul.f32 $1.052631620e-02, v17;
	v12 =	vmul.f32 v14, v12;
	v21 =	vadd.s32 s31, v0  }
0x5b: {  	v22 =	vcvt.s32.f32 v21;
	v19 =	vmul.f32 $1.052631620e-02, v19  }
0x5c: {  	v23 =	vperm.xlane v11, v6;
	v20 =	vmul.f32 $1.052631620e-02, v20;
	v17 =	vsub.f32 v17, v16  }
0x5d: {  	v12 =	vmul.f32 $1.442695020e+00, v12;
	v58 =	vmul.f32 $1.052631620e-02, v22;
	v16 =	vsub.f32 v19, v16  }
0x5e: {  	v20 =	vsub.f32 v20, v23;
	v17 =	vmul.f32 v17, v17  }
0x5f: {  	(erf) = vpow2.f32 v12;
	v12 =	vmul.f32 v16, v16;
	v16 =	vsub.f32 v58, v23  }
0x60: {  	v59 =	vmul.f32 v20, v20;
	v17 =	vmul.f32 v17, v14  }
0x61: {  	v12 =	vmul.f32 v12, v14;
	v16 =	vmul.f32 v16, v16  }
0x62: {  	v17 =	vmul.f32 $1.442695020e+00, v17;
	v19 =	vmul.f32 v59, v14  }
0x63: {  	v12 =	vmul.f32 $1.442695020e+00, v12;
	v14 =	vmul.f32 v16, v14  }
0x64: {  	(erf) = vpow2.f32 v17;
	v16 =	vmul.f32 $1.442695020e+00, v19  }
0x65: {  	(erf) = vpow2.f32 v12;
	v12 =	vmul.f32 $1.442695020e+00, v14  }
0x66: {  	v61 =	vperm.xlane v10, v8;
	(erf) = vpow2.f32 v16  }
0x67: {  	v17 =	vperm.xlane v10, v7;
	(erf) = vpow2.f32 v12  }
0x68: {  	v11 =	vperm.xlane v11, v8;
	vm9 =	vge.s32 v15, v61;
	v14 =	vperm.xlane v10, v5  }
0x69: {  	vm3 =	vlt.s32 v13, v17;
	v60 =	vpop (erf);
	v16 =	vperm.xlane v10, v6;
	v12 =	vperm.xlane v10, v4  }
0x6a: {  	v11 =	vmul.f32 v60, v11;
	vm15 =	vlt.s32 v18, v17;
	vm11 =	vge.s32 v21, v61  }
0x6b: {  	vm1 =	vlt.s32 v1, v14;
	v10 =	vperm.xlane v10, v9;
	vm2 =	vge.s32 v13, v16  }
0x6c: {  	s18 =	ssub.s32 s15, s19;
	vm14 =	vge.s32 v18, v16;
	vm0 =	vge.s32 v1, v12;
	vm8 =	vmand vm2, vm3  }
0x6d: {  	s21 =	sshra.s32 s18, $0x1;
	vm10 =	vlt.s32 v15, v10;
	vm12 =	vlt.s32 v21, v10;
	vm0 =	vmand vm0, vm1;
	v12 =	vpop (erf)  }
0x6e: {  	p0 =	slt.s32 s21, $0x1;
	vm13 =	vmand vm11, vm12;
	v14 =	vnsel vm0, $0x0, v11;
	vm0 =	vmand vm9, vm10;
	v13 =	vpop (erf)  }
.Ltmp6:
0x6f: {  	v12 =	vnsel vm8, $0x0, v12;
	v15 =	vperm.xlane v14, v4;
	v17 =	vperm.xlane v14, v5;
	v11 =	vpop (erf);
	(pc) =	sbr.rel @p0 .LBB2_11-.Ltmp6, $4  }
0x70: {  	v63 =	vperm.xlane v14, v6;
	v10 =	vpop (erf);
	v62 =	vnsel vm0, $0x0, v11;
	vm0 =	vmand vm14, vm15  }
0x71: {  	v16 =	vnsel vm13, $0x0, v10;
	v10 =	vmul.f32 v62, v15;
	v14 =	vmul.f32 v62, v17  }
0x72: {  	[tilespmem:$0xEC00] =	vst v12;
	v13 =	vnsel vm0, $0x0, v13;
	v11 =	vmul.f32 v16, v15;
	v12 =	vmul.f32 v16, v17  }
0x73: {  	[tilespmem:$0xEC10] =	vst v13;
	v15 =	vmul.f32 v63, v62;
	v13 =	vmul.f32 v63, v16  }
0x74: {  	s20 =	ssub.s32 s19, s16  }
0x75: {  	v16 =	vld [tilespmem:s20+$0xEC01]  }
0x76: {  	v18 =	vld [tilespmem:s20+$0xEC00];
	_ =	sdelay $0x1  }
0x77: {  	s26 =	smul.u32 $0x180, s19  }
0x78: {  	s22 =	sshll.u32 s19, $0x2;
	s23 =	sshll.u32 s16, $0x2;
	p1 =	sne.s32 s21, $0x1  }
.Ltmp7:
0x79: {  	s22 =	ssub.s32 s22, s23;
	(pc) =	sbr.rel @!p1 .LBB2_6-.Ltmp7, $4  }
0x7a: {  	s28 =	sshll.u32 s17, $0x2;
	s29 =	smul.u32 $0x60, s19;
	s22 =	sshra.s32 s22, $0x2;
	v17 =	vperm.xlane v16, v4;
	v16 =	vperm.xlane v18, v4  }
0x7b: {  	s20 =	sadd.s32 s28, s26;
	s22 =	sadd.s32 $0xEC03, s22  }
0x7c: {  	s21 =	sadd.s32 $0xFFFFFFFF, s21;
	s31 =	sadd.s32 s29, s17;
	s30 =	sshra.s32 s20, $0x2;
	v20 =	vld [tilespmem:s22+$0xFFFFFFFF];
	v19 =	vmul.f32 v17, v12;
	v22 =	vmul.f32 v16, v10  }
0x7d: {  	p0 =	por $0x0, $0x0;
	s20 =	sadd.s32 $0x60, s31;
	s19 =	sadd.s32 $0xC870, s30;
	v23 =	vld [tilespmem:s22+$0x0];
	v18 =	vmul.f32 v17, v15;
	v21 =	vmul.f32 v16, v11  }
0x7e: {  	[tilespmem:s19+$0xFFFFB790] =	vst.add.f32.msk $0xffff, v22;
	v22 =	vmul.f32 v16, v14  }
0x7f: {  	[tilespmem:s19+$0xFFFFB7A0] =	vst.add.f32.msk $0xffff, v21;
	v21 =	vmul.f32 v16, v12  }
0x80: {  	[tilespmem:s20+$0xA3A0] =	vst.add.f32.msk $0xffff, v22;
	v22 =	vmul.f32 v16, v15  }
0x81: {  	v16 =	vmul.f32 v16, v13;
	[tilespmem:s19+$0xFFFFDBA0] =	vst.add.f32.msk $0xffff, v21  }
0x82: {  	v21 =	vmul.f32 v17, v10;
	[tilespmem:s20+$0xC7A0] =	vst.add.f32.msk $0xffff, v22  }
0x83: {  	[tilespmem:s19+$0xFFFFFFA0] =	vst.add.f32.msk $0xffff, v16;
	v16 =	vmul.f32 v17, v11  }
0x84: {  	v22 =	vmul.f32 v17, v14;
	[tilespmem:s19+$0xFFFFB7F0] =	vst.add.f32.msk $0xffff, v21  }
0x85: {  	[tilespmem:s19+$0xFFFFB800] =	vst.add.f32.msk $0xffff, v16  }
0x86: {  	p1 =	sne.s32 s21, $0x1;
	[tilespmem:s20+$0xA400] =	vst.add.f32.msk $0xffff, v22  }
.Ltmp8:
0x87: {  	[tilespmem:s19+$0xFFFFDC00] =	vst.add.f32.msk $0xffff, v19;
	v19 =	vmul.f32 v17, v13;
	(pc) =	sbr.rel @!p1 .LBB2_8-.Ltmp8, $4  }
0x88: {  	v16 =	vperm.xlane v20, v4;
	[tilespmem:s20+$0xC800] =	vst.add.f32.msk $0xffff, v18  }
0x89: {  	s22 =	sadd.s32 $0x2, s22;
	v17 =	vperm.xlane v23, v4;
	[tilespmem:s19+$0x0] =	vst.add.f32.msk $0xffff, v19  }
0x8a: {  	s23 =	sadd.s32 $0xFFFFFFFF, s21;
	v22 =	vmul.f32 v16, v10;
	v21 =	vmul.f32 v16, v11;
	v20 =	vld [tilespmem:s22+$0xFFFFFFFF]  }
0x8b: {  	p0 =	por $0x1, $0x1;
	s21 =	smov.u32 s20;
	v19 =	vmul.f32 v17, v12;
	v18 =	vmul.f32 v17, v15;
	s19 =	sadd.s32 $0xC0, s19;
	v23 =	vld [tilespmem:s22+$0x0]  }
.LBB2_9:
0x8c: {  	p1 =	sne.s32 s23, $0x1;
	[tilespmem:s19+$0xFFFFB790] =	vst.add.f32.msk $0xffff, v22;
	v22 =	vmul.f32 v16, v14  }
0x8d: {  	s21 =	sadd.s32 $0xC0, s21;
	[tilespmem:s19+$0xFFFFB7A0] =	vst.add.f32.msk $0xffff, v21;
	v21 =	vmul.f32 v16, v12  }
0x8e: {  	[tilespmem:s21+$0xA3A0] =	vst.add.f32.msk $0xffff, v22;
	v22 =	vmul.f32 v16, v15  }
0x8f: {  	v16 =	vmul.f32 v16, v13;
	[tilespmem:s19+$0xFFFFDBA0] =	vst.add.f32.msk $0xffff, v21  }
0x90: {  	v21 =	vperm.xlane v23, v4;
	[tilespmem:s21+$0xC7A0] =	vst.add.f32.msk $0xffff, v22;
	v22 =	vmul.f32 v17, v10  }
0x91: {  	v23 =	vmul.f32 v17, v14;
	[tilespmem:s19+$0xFFFFFFA0] =	vst.add.f32.msk $0xffff, v16;
	v16 =	vmul.f32 v17, v11  }
0x92: {  	v24 =	vmul.f32 v21, v12;
	v25 =	vmul.f32 v21, v15;
	[tilespmem:s19+$0xFFFFB7F0] =	vst.add.f32.msk $0xffff, v22  }
0x93: {  	[tilespmem:s19+$0xFFFFB800] =	vst.add.f32.msk $0xffff, v16  }
0x94: {  	[tilespmem:s21+$0xA400] =	vst.add.f32.msk $0xffff, v23  }
.Ltmp9:
0x95: {  	v22 =	vmul.f32 v17, v13;
	v17 =	vmov v21;
	[tilespmem:s19+$0xFFFFDC00] =	vst.add.f32.msk $0xffff, v19;
	v19 =	vmov v24;
	(pc) =	sbr.rel @p1 .LBB2_9-.Ltmp9, $4  }
0x96: {  	v16 =	vperm.xlane v20, v4;
	[tilespmem:s21+$0xC800] =	vst.add.f32.msk $0xffff, v18;
	v18 =	vmov v25  }
0x97: {  	s22 =	sadd.s32 $0x2, s22;
	[tilespmem:s19+$0x0] =	vst.add.f32.msk $0xffff, v22  }
0x98: {  	v22 =	vmul.f32 v16, v10;
	v20 =	vld [tilespmem:s22+$0xFFFFFFFF]  }
0x99: {  	s23 =	sadd.s32 $0xFFFFFFFF, s23;
	v21 =	vmul.f32 v16, v11;
	s19 =	sadd.s32 $0xC0, s19;
	v23 =	vld [tilespmem:s22+$0x0]  }
.Ltmp10:
0x9a: {  	_ = 	snop;
	(pc) =	sbr.rel .LBB2_10-.Ltmp10, $1  }
0x9b: {  	_ =	sdelay $0x3  }
.LBB2_8:
.Ltmp11:
0x9c: {  	(pc) =	sbr.rel .LBB2_10-.Ltmp11, $2  }
0x9d: {  	_ =	sdelay $0x2  }
0x9e: {  	s21 =	smov.u32 s20  }
.LBB2_13:
0x9f: {  	_ =	sfence.sel $0x180000  }
0xa0: {  	[bflag:$0x0] =	sbarrier.arrive $0xFFFF  }
0xa1: {  	p0 =	sne.s32 s0, $0x0;
	_ =	strace $0x90000047  }
0xa2: {  	s0 =	sadd.s32 @!p0 $0x100000, s1;
	[bflag:$0x2] =	sbarrier.arrive $0xFFFF  }
0xa3: {  	[sflag:s0] =	ssyncadd.tile.s32 @!p0 $0x1;
	_ =	shalt  }
.Lfunc_end2:
_tile_overlayer_lowered:
.L_overlay_start_2:
0xa4: {  	(tag) =	ssettag $0x2  }
0xa5: {  	s0 =	rddreg [dreg:$0x0];
	s2 =	stileid.u32  }
0xa6: {  	s1 =	rddreg [dreg:$0x1];
	p0 =	sne.s32 s2, $0x0  }
0xa7: {  	s3 =	rddreg [dreg:$0x2];
	[bflag:$0x3] =	sbarrier.arrive $0xFFFF;
	s2 =	simm.s32 @!p0 $0x1C01  }
0xa8: {  	[timem:s3], [sflag:s2] =	dma.local @!p0 [hbm:s0], s1  }
0xa9: {  	s0 =	simm.s32 @!p0 $0x1  }
0xaa: {  	_ =	swait.ge @!p0 [sflag:s0], s1  }
0xab: {  	s1 =	ssub.s32 @!p0 $0x0, s1;
	[sflag:s0] =	ssyncset.done @!p0 $0x0  }
0xac: {  	[sflag:s0] =	ssyncadd.s32 @!p0 s1  }
0xad: {  	[bflag:$0x3] =	sbarrier.arrive $0xFFFF  }
0xae: {  	_ =	shalt  }

</sc_bundles>
